<compile_context>
chip_gen: v7x
topology: tpu7x:2x2x1
jax: 0.10.2.dev20260603
libtpu: 0.0.44.dev20260713+nightly
codegen_flags: <defaults>
</compile_context>

<pallas_src>
import functools

import jax
import jax.numpy as jnp
from jax import lax
from jax.experimental import pallas as pl
from jax.experimental.pallas import tpu as pltpu
from jax.experimental.pallas import tpu_sc as plsc

N_NODES = 10000
N_EDGES = 320000
D_FEAT = 128

NC = 2
NS = 16
NW = NC * NS

CH = 128
NCHUNKS = -(-N_EDGES // CH)
NCHUNKS_PAD = -(-NCHUNKS // (2 * NW)) * (2 * NW)
CPW = NCHUNKS_PAD // NW

NPAD = 10240
ROWS_PER_TILE = NPAD // NS
DRAIN_BLK = 128
N_DRAIN = ROWS_PER_TILE // DRAIN_BLK

_mesh = plsc.VectorSubcoreMesh(core_axis_name="c", subcore_axis_name="s",
                               num_cores=NC, num_subcores=NS)


@functools.partial(
    pl.kernel,
    out_type=(
        jax.ShapeDtypeStruct((NC, NPAD), jnp.float32),
        jax.ShapeDtypeStruct((NC, NPAD), jnp.float32),
    ),
    mesh=_mesh,
    scratch_types=[
        pltpu.VMEM((CPW, CH), jnp.int32),
        pltpu.VMEM((CPW, CH), jnp.int32),
        pltpu.VMEM((CH,), jnp.float32),
        pltpu.VMEM((ROWS_PER_TILE,), jnp.float32),
        pltpu.VMEM_SHARED((NPAD,), jnp.float32),
        pltpu.VMEM_SHARED((NPAD,), jnp.float32),
        pltpu.SemaphoreType.DMA,
    ],
)
def _deg_kernel(edge_hbm, degr_hbm, degc_hbm,
                ridx2, cidx2, ones_v, bounce, degr_sh, degc_sh, ssem):
    cid = lax.axis_index("c")
    sid = lax.axis_index("s")
    wid = cid * NS + sid

    def fill16(i, _):
        bounce[pl.ds(i * 16, 16)] = jnp.zeros((16,), jnp.float32)
        return 0
    lax.fori_loop(0, ROWS_PER_TILE // 16, fill16, 0)
    for i in range(CH // 16):
        ones_v[pl.ds(i * 16, 16)] = jnp.ones((16,), jnp.float32)

    tile_base = sid * ROWS_PER_TILE
    pltpu.sync_copy(bounce, degr_sh.at[pl.ds(tile_base, ROWS_PER_TILE)])
    pltpu.sync_copy(bounce, degc_sh.at[pl.ds(tile_base, ROWS_PER_TILE)])

    pltpu.sync_copy(edge_hbm.at[0, 2 * wid], ridx2.at[pl.ds(0, CPW // 2)])
    pltpu.sync_copy(edge_hbm.at[0, 2 * wid + 1], ridx2.at[pl.ds(CPW // 2, CPW // 2)])
    pltpu.sync_copy(edge_hbm.at[1, 2 * wid], cidx2.at[pl.ds(0, CPW // 2)])
    pltpu.sync_copy(edge_hbm.at[1, 2 * wid + 1], cidx2.at[pl.ds(CPW // 2, CPW // 2)])
    plsc.subcore_barrier()

    def body(j, _):
        pltpu.async_copy(ones_v, degr_sh.at[ridx2.at[j]], ssem, add=True)
        pltpu.async_copy(ones_v, degc_sh.at[cidx2.at[j]], ssem, add=True)

        @pl.when(j > 0)
        def _():
            pltpu.make_async_copy(ones_v, degr_sh.at[ridx2.at[j - 1]], ssem).wait()
            pltpu.make_async_copy(ones_v, degc_sh.at[cidx2.at[j - 1]], ssem).wait()
        return 0
    lax.fori_loop(0, CPW, body, 0)
    pltpu.make_async_copy(ones_v, degr_sh.at[ridx2.at[CPW - 1]], ssem).wait()
    pltpu.make_async_copy(ones_v, degc_sh.at[cidx2.at[CPW - 1]], ssem).wait()

    plsc.subcore_barrier()
    pltpu.sync_copy(degr_sh.at[pl.ds(tile_base, ROWS_PER_TILE)], bounce)
    pltpu.sync_copy(bounce, degr_hbm.at[cid, pl.ds(tile_base, ROWS_PER_TILE)])
    pltpu.sync_copy(degc_sh.at[pl.ds(tile_base, ROWS_PER_TILE)], bounce)
    pltpu.sync_copy(bounce, degc_hbm.at[cid, pl.ds(tile_base, ROWS_PER_TILE)])


@functools.partial(
    pl.kernel,
    out_type=(
        jax.ShapeDtypeStruct((NC, NPAD, D_FEAT), jnp.float32),
    ),
    mesh=_mesh,
    scratch_types=[
        pltpu.VMEM((CPW // 2, CH), jnp.int32),
        pltpu.VMEM((CPW // 2, CH), jnp.int32),
        pltpu.VMEM((2, CH, D_FEAT), jnp.float32),
        pltpu.VMEM_SHARED((NPAD, D_FEAT), jnp.float32),
        pltpu.SemaphoreType.DMA,
        pltpu.SemaphoreType.DMA,
        pltpu.SemaphoreType.DMA,
    ],
)
def _spmm_kernel(scaled_hbm, edge_hbm, out_hbm,
                 ridx2, cidx2, gbuf, acc_sh, gsem, ssem, dsem):
    cid = lax.axis_index("c")
    sid = lax.axis_index("s")
    wid = cid * NS + sid

    def fill16(r, _):
        for k in range(D_FEAT // 16):
            gbuf[0, r, pl.ds(k * 16, 16)] = jnp.zeros((16,), jnp.float32)
        return 0
    lax.fori_loop(0, CH, fill16, 0)

    tile_base = sid * ROWS_PER_TILE
    for k in range(N_DRAIN):
        pltpu.sync_copy(gbuf.at[0],
                        acc_sh.at[pl.ds(tile_base + k * DRAIN_BLK, DRAIN_BLK)])

    plsc.subcore_barrier()

    SCH = CPW // 2
    for h in range(2):
        pltpu.sync_copy(edge_hbm.at[0, 2 * wid + h], ridx2)
        pltpu.sync_copy(edge_hbm.at[1, 2 * wid + h], cidx2)
        pltpu.async_copy(scaled_hbm.at[cidx2.at[0]], gbuf.at[0], gsem)

        def body(j, _):
            b = j % 2

            @pl.when(j + 1 < SCH)
            def _():
                pltpu.async_copy(scaled_hbm.at[cidx2.at[j + 1]], gbuf.at[1 - b],
                                 gsem)

            pltpu.make_async_copy(scaled_hbm.at[cidx2.at[j]], gbuf.at[b],
                                  gsem).wait()
            pltpu.sync_copy(gbuf.at[b], acc_sh.at[ridx2.at[j]], add=True)
            return 0
        lax.fori_loop(0, SCH, body, 0)

    plsc.subcore_barrier()
    for k in range(N_DRAIN):
        b = k % 2
        rows = pl.ds(tile_base + k * DRAIN_BLK, DRAIN_BLK)
        if k >= 2:
            prev = pl.ds(tile_base + (k - 2) * DRAIN_BLK, DRAIN_BLK)
            pltpu.make_async_copy(gbuf.at[b], out_hbm.at[cid, prev], dsem).wait()
        pltpu.sync_copy(acc_sh.at[rows], gbuf.at[b])
        pltpu.async_copy(gbuf.at[b], out_hbm.at[cid, rows], dsem)
    for k in range(N_DRAIN - 2, N_DRAIN):
        rows = pl.ds(tile_base + k * DRAIN_BLK, DRAIN_BLK)
        pltpu.make_async_copy(gbuf.at[k % 2], out_hbm.at[cid, rows], dsem).wait()


def _prep_body(degr_ref, degc_ref, emb_ref, scaled_ref, rrow_ref):
    degr = degr_ref[0] + degr_ref[1]
    degc = degc_ref[0] + degc_ref[1]
    rrow_ref[...] = lax.rsqrt(jnp.maximum(degr, 1.0))
    rcol = lax.rsqrt(jnp.maximum(degc, 1.0))
    rcol_n = rcol.reshape(NPAD)[:N_NODES]
    scaled_ref[:N_NODES, :] = emb_ref[...] * rcol_n[:, None]
    scaled_ref[N_NODES:, :] = jnp.zeros((NPAD - N_NODES, D_FEAT), jnp.float32)


def _finish_body(parts_ref, rrow_ref, out_ref):
    acc = parts_ref[0, :N_NODES, :] + parts_ref[1, :N_NODES, :]
    rrow = rrow_ref[...].reshape(NPAD)[:N_NODES]
    out_ref[...] = acc * rrow[:, None]


def kernel(embeddings, edge_index):
    npad_e = NCHUNKS_PAD * CH - N_EDGES
    pad_row = N_NODES + jnp.arange(npad_e, dtype=jnp.int32) % (NPAD - N_NODES)
    pad = jnp.broadcast_to(pad_row, (2, npad_e))
    edge3 = jnp.concatenate([edge_index, pad], axis=1).reshape(
        2, NW * 2, CPW // 2, CH)
    degr_p, degc_p = _deg_kernel(edge3)
    scaled, rrow = pl.pallas_call(
        _prep_body,
        out_shape=(
            jax.ShapeDtypeStruct((NPAD, D_FEAT), jnp.float32),
            jax.ShapeDtypeStruct((NPAD // 128, 128), jnp.float32),
        ),
    )(degr_p.reshape(NC, NPAD // 128, 128),
      degc_p.reshape(NC, NPAD // 128, 128),
      embeddings)
    (parts,) = _spmm_kernel(scaled, edge3)
    out = pl.pallas_call(
        _finish_body,
        out_shape=jax.ShapeDtypeStruct((N_NODES, D_FEAT), jnp.float32),
    )(parts, rrow)
    return out

# --- scband reference (transcript-rebuilt; emitter-appended) ---
"""Pipeline reference for scband-light-gcnlayer-8117488189797 (READ-ONLY COPY).

The authoritative reference and input builder live on the scoring server;
editing this copy changes nothing except your own understanding.
"""

import jax, jax.numpy as jnp
import numpy as np

N_NODES = 10000
N_EDGES = 320000
D_FEAT = 128


def setup_inputs(seed: int = 0) -> dict:
    key = jax.random.key(seed)
    k1, k2 = jax.random.split(key, 2)
    embeddings = jax.random.normal(k1, (N_NODES, D_FEAT), dtype=jnp.float32)
    # edge_index[0] = row (dst), edge_index[1] = col (src) of the sparse norm adj
    edge_index = jax.random.randint(k2, (2, N_EDGES), 0, N_NODES, dtype=jnp.int32)
    return {"embeddings": embeddings, "edge_index": edge_index}


def reference(embeddings, edge_index):
    # Faithful LightGCN propagation: out = (D^{-1/2} A D^{-1/2}) @ E
    # realized as gather(src) -> scale by edge norm -> scatter-add(dst)
    row = edge_index[0]
    col = edge_index[1]
    n = embeddings.shape[0]
    ones = jnp.ones((row.shape[0],), dtype=embeddings.dtype)
    deg_row = jnp.zeros((n,), dtype=embeddings.dtype).at[row].add(ones)
    deg_col = jnp.zeros((n,), dtype=embeddings.dtype).at[col].add(ones)
    norm = jax.lax.rsqrt(jnp.maximum(deg_row[row], 1.0)) * jax.lax.rsqrt(jnp.maximum(deg_col[col], 1.0))
    gathered = jnp.take(embeddings, col, axis=0)  # [E, D]
    messages = norm[:, None] * gathered
    out = jnp.zeros_like(embeddings).at[row].add(messages)
    return out


if False:  # reference __main__ guard neutralized (emitter)
    inp = setup_inputs()
    out = reference(**inp)
    print(out.shape, out.dtype)

if __name__ == "__main__":
    import jax
    _d = setup_inputs()
    print(jax.jit(kernel)(*tuple(_d.values())))

</pallas_src>

<mosaic_0001>
#map = affine_map<(d0, d1) -> (0, 0, 0, 0)>
#map1 = affine_map<(d0, d1) -> (0, 0)>
module attributes {stable_mosaic.version = 14 : i64} {
  func.func @_deg_kernel(%arg0: i32, %arg1: i32, %arg2: memref<2x64x40x128xi32, #tpu.memory_space<hbm>>, %arg3: memref<2x10240xf32, #tpu.memory_space<hbm>>, %arg4: memref<2x10240xf32, #tpu.memory_space<hbm>>, %arg5: memref<80x128xi32, #tpu.memory_space<vmem>>, %arg6: memref<80x128xi32, #tpu.memory_space<vmem>>, %arg7: memref<128xf32, #tpu.memory_space<vmem>>, %arg8: memref<640xf32, #tpu.memory_space<vmem>>, %arg9: memref<10240xf32, #tpu.memory_space<vmem_shared>>, %arg10: memref<10240xf32, #tpu.memory_space<vmem_shared>>, %arg11: memref<!tpu.dma_semaphore, #tpu.memory_space<semaphore_mem>>) attributes {dimension_semantics = [#tpu.dimension_semantics<core_parallel>, #tpu.dimension_semantics<subcore_parallel>], iteration_bounds = array<i64: 2, 16>, scalar_prefetch = 0 : i64, scratch_operands = 7 : i64, tpu.core_type = #tpu.core_type<sc_vector_subcore>, window_params = [{transform_indices = #map}, {transform_indices = #map1}, {transform_indices = #map1}]} {
    %mul3A = arith.constant 16 : i32
    %mul3A_0 = arith.muli %arg0, %mul3A : i32
    %add3A = arith.addi %mul3A_0, %arg1 : i32
    %scan3A = arith.constant 0 : i32
    %scan3A_1 = arith.constant 0 : i32
    %scan3A_2 = arith.constant 40 : i32
    %scan3A_3 = arith.addi %scan3A_1, %scan3A_2 : i32
    %scan3A_4 = arith.constant 1 : i32
    %scan3A_5 = scf.for %scan3A_89 = %scan3A_1 to %scan3A_3 step %scan3A_4 iter_args(%scan3A_90 = %scan3A) -> (i32)  : i32 {
      %broadcast_in_dim3A_91 = arith.constant 0.000000e+00 : f32
      %broadcast_in_dim3A_92 = vector.broadcast %broadcast_in_dim3A_91 : f32 to vector<16xf32>
      %mul3A_93 = arith.constant 16 : i32
      %mul3A_94 = arith.muli %scan3A_89, %mul3A_93 : i32
      %swap3A_95 = arith.index_cast %mul3A_94 : i32 to index
      %swap3A_96 = tpu.vector_load %arg8[%swap3A_95] {strides = array<i32>} : memref<640xf32, #tpu.memory_space<vmem>>, vector<16xf32>,
      %swap3A_97 = vector.shape_cast %swap3A_96 : vector<16xf32> to vector<16xf32>
      %swap3A_98 = vector.shape_cast %broadcast_in_dim3A_92 : vector<16xf32> to vector<16xf32>
      tpu.vector_store %arg8[%swap3A_95], %swap3A_98 {strides = array<i32>} : memref<640xf32, #tpu.memory_space<vmem>>, vector<16xf32>,
      %scan3A_99 = arith.constant 0 : i32
      scf.yield %scan3A_99 : i32
    }
    %scan3A_6 = arith.constant 40 : i32
    %broadcast_in_dim3A = arith.constant 1.000000e+00 : f32
    %broadcast_in_dim3A_7 = vector.broadcast %broadcast_in_dim3A : f32 to vector<16xf32>
    %swap3A = arith.constant 0 : index
    %swap3A_8 = tpu.vector_load %arg7[%swap3A] {strides = array<i32>} : memref<128xf32, #tpu.memory_space<vmem>>, vector<16xf32>,
    %swap3A_9 = vector.shape_cast %swap3A_8 : vector<16xf32> to vector<16xf32>
    %swap3A_10 = vector.shape_cast %broadcast_in_dim3A_7 : vector<16xf32> to vector<16xf32>
    tpu.vector_store %arg7[%swap3A], %swap3A_10 {strides = array<i32>} : memref<128xf32, #tpu.memory_space<vmem>>, vector<16xf32>,
    %broadcast_in_dim3A_11 = arith.constant 1.000000e+00 : f32
    %broadcast_in_dim3A_12 = vector.broadcast %broadcast_in_dim3A_11 : f32 to vector<16xf32>
    %swap3A_13 = arith.constant 16 : index
    %swap3A_14 = tpu.vector_load %arg7[%swap3A_13] {strides = array<i32>} : memref<128xf32, #tpu.memory_space<vmem>>, vector<16xf32>,
    %swap3A_15 = vector.shape_cast %swap3A_14 : vector<16xf32> to vector<16xf32>
    %swap3A_16 = vector.shape_cast %broadcast_in_dim3A_12 : vector<16xf32> to vector<16xf32>
    tpu.vector_store %arg7[%swap3A_13], %swap3A_16 {strides = array<i32>} : memref<128xf32, #tpu.memory_space<vmem>>, vector<16xf32>,
    %broadcast_in_dim3A_17 = arith.constant 1.000000e+00 : f32
    %broadcast_in_dim3A_18 = vector.broadcast %broadcast_in_dim3A_17 : f32 to vector<16xf32>
    %swap3A_19 = arith.constant 32 : index
    %swap3A_20 = tpu.vector_load %arg7[%swap3A_19] {strides = array<i32>} : memref<128xf32, #tpu.memory_space<vmem>>, vector<16xf32>,
    %swap3A_21 = vector.shape_cast %swap3A_20 : vector<16xf32> to vector<16xf32>
    %swap3A_22 = vector.shape_cast %broadcast_in_dim3A_18 : vector<16xf32> to vector<16xf32>
    tpu.vector_store %arg7[%swap3A_19], %swap3A_22 {strides = array<i32>} : memref<128xf32, #tpu.memory_space<vmem>>, vector<16xf32>,
    %broadcast_in_dim3A_23 = arith.constant 1.000000e+00 : f32
    %broadcast_in_dim3A_24 = vector.broadcast %broadcast_in_dim3A_23 : f32 to vector<16xf32>
    %swap3A_25 = arith.constant 48 : index
    %swap3A_26 = tpu.vector_load %arg7[%swap3A_25] {strides = array<i32>} : memref<128xf32, #tpu.memory_space<vmem>>, vector<16xf32>,
    %swap3A_27 = vector.shape_cast %swap3A_26 : vector<16xf32> to vector<16xf32>
    %swap3A_28 = vector.shape_cast %broadcast_in_dim3A_24 : vector<16xf32> to vector<16xf32>
    tpu.vector_store %arg7[%swap3A_25], %swap3A_28 {strides = array<i32>} : memref<128xf32, #tpu.memory_space<vmem>>, vector<16xf32>,
    %broadcast_in_dim3A_29 = arith.constant 1.000000e+00 : f32
    %broadcast_in_dim3A_30 = vector.broadcast %broadcast_in_dim3A_29 : f32 to vector<16xf32>
    %swap3A_31 = arith.constant 64 : index
    %swap3A_32 = tpu.vector_load %arg7[%swap3A_31] {strides = array<i32>} : memref<128xf32, #tpu.memory_space<vmem>>, vector<16xf32>,
    %swap3A_33 = vector.shape_cast %swap3A_32 : vector<16xf32> to vector<16xf32>
    %swap3A_34 = vector.shape_cast %broadcast_in_dim3A_30 : vector<16xf32> to vector<16xf32>
    tpu.vector_store %arg7[%swap3A_31], %swap3A_34 {strides = array<i32>} : memref<128xf32, #tpu.memory_space<vmem>>, vector<16xf32>,
    %broadcast_in_dim3A_35 = arith.constant 1.000000e+00 : f32
    %broadcast_in_dim3A_36 = vector.broadcast %broadcast_in_dim3A_35 : f32 to vector<16xf32>
    %swap3A_37 = arith.constant 80 : index
    %swap3A_38 = tpu.vector_load %arg7[%swap3A_37] {strides = array<i32>} : memref<128xf32, #tpu.memory_space<vmem>>, vector<16xf32>,
    %swap3A_39 = vector.shape_cast %swap3A_38 : vector<16xf32> to vector<16xf32>
    %swap3A_40 = vector.shape_cast %broadcast_in_dim3A_36 : vector<16xf32> to vector<16xf32>
    tpu.vector_store %arg7[%swap3A_37], %swap3A_40 {strides = array<i32>} : memref<128xf32, #tpu.memory_space<vmem>>, vector<16xf32>,
    %broadcast_in_dim3A_41 = arith.constant 1.000000e+00 : f32
    %broadcast_in_dim3A_42 = vector.broadcast %broadcast_in_dim3A_41 : f32 to vector<16xf32>
    %swap3A_43 = arith.constant 96 : index
    %swap3A_44 = tpu.vector_load %arg7[%swap3A_43] {strides = array<i32>} : memref<128xf32, #tpu.memory_space<vmem>>, vector<16xf32>,
    %swap3A_45 = vector.shape_cast %swap3A_44 : vector<16xf32> to vector<16xf32>
    %swap3A_46 = vector.shape_cast %broadcast_in_dim3A_42 : vector<16xf32> to vector<16xf32>
    tpu.vector_store %arg7[%swap3A_43], %swap3A_46 {strides = array<i32>} : memref<128xf32, #tpu.memory_space<vmem>>, vector<16xf32>,
    %broadcast_in_dim3A_47 = arith.constant 1.000000e+00 : f32
    %broadcast_in_dim3A_48 = vector.broadcast %broadcast_in_dim3A_47 : f32 to vector<16xf32>
    %swap3A_49 = arith.constant 112 : index
    %swap3A_50 = tpu.vector_load %arg7[%swap3A_49] {strides = array<i32>} : memref<128xf32, #tpu.memory_space<vmem>>, vector<16xf32>,
    %swap3A_51 = vector.shape_cast %swap3A_50 : vector<16xf32> to vector<16xf32>
    %swap3A_52 = vector.shape_cast %broadcast_in_dim3A_48 : vector<16xf32> to vector<16xf32>
    tpu.vector_store %arg7[%swap3A_49], %swap3A_52 {strides = array<i32>} : memref<128xf32, #tpu.memory_space<vmem>>, vector<16xf32>,
    %mul3A_53 = arith.constant 640 : i32
    %mul3A_54 = arith.muli %arg1, %mul3A_53 : i32
    "tpu.region"() ({
      %run_scoped3A_89 = tpu.sem_alloc : memref<!tpu.dma_semaphore, #tpu.memory_space<semaphore_mem>>
      %dma_start3A = tpu.memref_slice %arg9[%mul3A_54] : memref<10240xf32, #tpu.memory_space<vmem_shared>> -> memref<640xf32, #tpu.memory_space<vmem_shared>>
      %dma_start3A_90 = tpu.memref_slice %arg9[%mul3A_54] : memref<10240xf32, #tpu.memory_space<vmem_shared>> -> memref<640xf32, #tpu.memory_space<vmem_shared>>
      tpu.enqueue_dma source(%arg8 : memref<640xf32, #tpu.memory_space<vmem>>) target(%dma_start3A_90 : memref<640xf32, #tpu.memory_space<vmem_shared>>) target_semaphore(%run_scoped3A_89 : memref<!tpu.dma_semaphore, #tpu.memory_space<semaphore_mem>>)
      %dma_wait3A_91 = tpu.memref_slice %arg9[%mul3A_54] : memref<10240xf32, #tpu.memory_space<vmem_shared>> -> memref<640xf32, #tpu.memory_space<vmem_shared>>
      %dma_wait3A_92 = tpu.memref_slice %arg9[%mul3A_54] : memref<10240xf32, #tpu.memory_space<vmem_shared>> -> memref<640xf32, #tpu.memory_space<vmem_shared>>
      tpu.wait_dma2 semaphore(%run_scoped3A_89 : memref<!tpu.dma_semaphore, #tpu.memory_space<semaphore_mem>>) src(%arg8 : memref<640xf32, #tpu.memory_space<vmem>>) dst(%dma_wait3A_92 : memref<640xf32, #tpu.memory_space<vmem_shared>>)
      tpu.yield
    }) : () -> ()
    "tpu.region"() ({
      %run_scoped3A_89 = tpu.sem_alloc : memref<!tpu.dma_semaphore, #tpu.memory_space<semaphore_mem>>
      %dma_start3A = tpu.memref_slice %arg10[%mul3A_54] : memref<10240xf32, #tpu.memory_space<vmem_shared>> -> memref<640xf32, #tpu.memory_space<vmem_shared>>
      %dma_start3A_90 = tpu.memref_slice %arg10[%mul3A_54] : memref<10240xf32, #tpu.memory_space<vmem_shared>> -> memref<640xf32, #tpu.memory_space<vmem_shared>>
      tpu.enqueue_dma source(%arg8 : memref<640xf32, #tpu.memory_space<vmem>>) target(%dma_start3A_90 : memref<640xf32, #tpu.memory_space<vmem_shared>>) target_semaphore(%run_scoped3A_89 : memref<!tpu.dma_semaphore, #tpu.memory_space<semaphore_mem>>)
      %dma_wait3A_91 = tpu.memref_slice %arg10[%mul3A_54] : memref<10240xf32, #tpu.memory_space<vmem_shared>> -> memref<640xf32, #tpu.memory_space<vmem_shared>>
      %dma_wait3A_92 = tpu.memref_slice %arg10[%mul3A_54] : memref<10240xf32, #tpu.memory_space<vmem_shared>> -> memref<640xf32, #tpu.memory_space<vmem_shared>>
      tpu.wait_dma2 semaphore(%run_scoped3A_89 : memref<!tpu.dma_semaphore, #tpu.memory_space<semaphore_mem>>) src(%arg8 : memref<640xf32, #tpu.memory_space<vmem>>) dst(%dma_wait3A_92 : memref<640xf32, #tpu.memory_space<vmem_shared>>)
      tpu.yield
    }) : () -> ()
    %mul3A_55 = arith.constant 2 : i32
    %mul3A_56 = arith.muli %mul3A_55, %add3A : i32
    %run_scoped3A = arith.constant 0 : i32
    "tpu.region"() ({
      %run_scoped3A_89 = tpu.sem_alloc : memref<!tpu.dma_semaphore, #tpu.memory_space<semaphore_mem>>
      %dma_start3A = arith.constant 0 : i32
      %dma_start3A_90 = arith.constant 0 : i32
      %dma_start3A_91 = tpu.memref_slice %arg5[%dma_start3A, %dma_start3A_90] : memref<80x128xi32, #tpu.memory_space<vmem>> -> memref<40x128xi32, #tpu.memory_space<vmem>>
      %dma_start3A_92 = arith.constant 0 : i32
      %dma_start3A_93 = arith.constant 0 : i32
      %dma_start3A_94 = tpu.memref_slice %arg2[%run_scoped3A, %mul3A_56, %dma_start3A_92, %dma_start3A_93] : memref<2x64x40x128xi32, #tpu.memory_space<hbm>> -> memref<1x1x40x128xi32, #tpu.memory_space<hbm>>
      %dma_start3A_95 = tpu.memref_squeeze %dma_start3A_94 : memref<1x1x40x128xi32, #tpu.memory_space<hbm>> -> memref<40x128xi32, #tpu.memory_space<hbm>>
      %dma_start3A_96 = arith.constant 0 : i32
      %dma_start3A_97 = arith.constant 0 : i32
      %dma_start3A_98 = tpu.memref_slice %arg5[%dma_start3A_96, %dma_start3A_97] : memref<80x128xi32, #tpu.memory_space<vmem>> -> memref<40x128xi32, #tpu.memory_space<vmem>>
      %dma_start3A_99 = arith.constant 0 : i32
      %dma_start3A_100 = arith.constant 0 : i32
      %dma_start3A_101 = tpu.memref_slice %arg2[%run_scoped3A, %mul3A_56, %dma_start3A_99, %dma_start3A_100] : memref<2x64x40x128xi32, #tpu.memory_space<hbm>> -> memref<1x1x40x128xi32, #tpu.memory_space<hbm>>
      %dma_start3A_102 = tpu.memref_squeeze %dma_start3A_101 : memref<1x1x40x128xi32, #tpu.memory_space<hbm>> -> memref<40x128xi32, #tpu.memory_space<hbm>>
      tpu.enqueue_dma source(%dma_start3A_102 : memref<40x128xi32, #tpu.memory_space<hbm>>) target(%dma_start3A_98 : memref<40x128xi32, #tpu.memory_space<vmem>>) target_semaphore(%run_scoped3A_89 : memref<!tpu.dma_semaphore, #tpu.memory_space<semaphore_mem>>)
      %dma_wait3A_103 = arith.constant 0 : i32
      %dma_wait3A_104 = arith.constant 0 : i32
      %dma_wait3A_105 = tpu.memref_slice %arg5[%dma_wait3A_103, %dma_wait3A_104] : memref<80x128xi32, #tpu.memory_space<vmem>> -> memref<40x128xi32, #tpu.memory_space<vmem>>
      %dma_wait3A_106 = arith.constant 0 : i32
      %dma_wait3A_107 = arith.constant 0 : i32
      %dma_wait3A_108 = tpu.memref_slice %arg2[%run_scoped3A, %mul3A_56, %dma_wait3A_106, %dma_wait3A_107] : memref<2x64x40x128xi32, #tpu.memory_space<hbm>> -> memref<1x1x40x128xi32, #tpu.memory_space<hbm>>
      %dma_wait3A_109 = tpu.memref_squeeze %dma_wait3A_108 : memref<1x1x40x128xi32, #tpu.memory_space<hbm>> -> memref<40x128xi32, #tpu.memory_space<hbm>>
      %dma_wait3A_110 = arith.constant 0 : i32
      %dma_wait3A_111 = arith.constant 0 : i32
      %dma_wait3A_112 = tpu.memref_slice %arg5[%dma_wait3A_110, %dma_wait3A_111] : memref<80x128xi32, #tpu.memory_space<vmem>> -> memref<40x128xi32, #tpu.memory_space<vmem>>
      %dma_wait3A_113 = arith.constant 0 : i32
      %dma_wait3A_114 = arith.constant 0 : i32
      %dma_wait3A_115 = tpu.memref_slice %arg2[%run_scoped3A, %mul3A_56, %dma_wait3A_113, %dma_wait3A_114] : memref<2x64x40x128xi32, #tpu.memory_space<hbm>> -> memref<1x1x40x128xi32, #tpu.memory_space<hbm>>
      %dma_wait3A_116 = tpu.memref_squeeze %dma_wait3A_115 : memref<1x1x40x128xi32, #tpu.memory_space<hbm>> -> memref<40x128xi32, #tpu.memory_space<hbm>>
      tpu.wait_dma2 semaphore(%run_scoped3A_89 : memref<!tpu.dma_semaphore, #tpu.memory_space<semaphore_mem>>) src(%dma_wait3A_116 : memref<40x128xi32, #tpu.memory_space<hbm>>) dst(%dma_wait3A_112 : memref<40x128xi32, #tpu.memory_space<vmem>>)
      tpu.yield
    }) : () -> ()
    %mul3A_57 = arith.constant 2 : i32
    %mul3A_58 = arith.muli %mul3A_57, %add3A : i32
    %add3A_59 = arith.constant 1 : i32
    %add3A_60 = arith.addi %mul3A_58, %add3A_59 : i32
    %run_scoped3A_61 = arith.constant 0 : i32
    "tpu.region"() ({
      %run_scoped3A_89 = tpu.sem_alloc : memref<!tpu.dma_semaphore, #tpu.memory_space<semaphore_mem>>
      %dma_start3A = arith.constant 40 : i32
      %dma_start3A_90 = arith.constant 0 : i32
      %dma_start3A_91 = tpu.memref_slice %arg5[%dma_start3A, %dma_start3A_90] : memref<80x128xi32, #tpu.memory_space<vmem>> -> memref<40x128xi32, #tpu.memory_space<vmem>>
      %dma_start3A_92 = arith.constant 0 : i32
      %dma_start3A_93 = arith.constant 0 : i32
      %dma_start3A_94 = tpu.memref_slice %arg2[%run_scoped3A_61, %add3A_60, %dma_start3A_92, %dma_start3A_93] : memref<2x64x40x128xi32, #tpu.memory_space<hbm>> -> memref<1x1x40x128xi32, #tpu.memory_space<hbm>>
      %dma_start3A_95 = tpu.memref_squeeze %dma_start3A_94 : memref<1x1x40x128xi32, #tpu.memory_space<hbm>> -> memref<40x128xi32, #tpu.memory_space<hbm>>
      %dma_start3A_96 = arith.constant 40 : i32
      %dma_start3A_97 = arith.constant 0 : i32
      %dma_start3A_98 = tpu.memref_slice %arg5[%dma_start3A_96, %dma_start3A_97] : memref<80x128xi32, #tpu.memory_space<vmem>> -> memref<40x128xi32, #tpu.memory_space<vmem>>
      %dma_start3A_99 = arith.constant 0 : i32
      %dma_start3A_100 = arith.constant 0 : i32
      %dma_start3A_101 = tpu.memref_slice %arg2[%run_scoped3A_61, %add3A_60, %dma_start3A_99, %dma_start3A_100] : memref<2x64x40x128xi32, #tpu.memory_space<hbm>> -> memref<1x1x40x128xi32, #tpu.memory_space<hbm>>
      %dma_start3A_102 = tpu.memref_squeeze %dma_start3A_101 : memref<1x1x40x128xi32, #tpu.memory_space<hbm>> -> memref<40x128xi32, #tpu.memory_space<hbm>>
      tpu.enqueue_dma source(%dma_start3A_102 : memref<40x128xi32, #tpu.memory_space<hbm>>) target(%dma_start3A_98 : memref<40x128xi32, #tpu.memory_space<vmem>>) target_semaphore(%run_scoped3A_89 : memref<!tpu.dma_semaphore, #tpu.memory_space<semaphore_mem>>)
      %dma_wait3A_103 = arith.constant 40 : i32
      %dma_wait3A_104 = arith.constant 0 : i32
      %dma_wait3A_105 = tpu.memref_slice %arg5[%dma_wait3A_103, %dma_wait3A_104] : memref<80x128xi32, #tpu.memory_space<vmem>> -> memref<40x128xi32, #tpu.memory_space<vmem>>
      %dma_wait3A_106 = arith.constant 0 : i32
      %dma_wait3A_107 = arith.constant 0 : i32
      %dma_wait3A_108 = tpu.memref_slice %arg2[%run_scoped3A_61, %add3A_60, %dma_wait3A_106, %dma_wait3A_107] : memref<2x64x40x128xi32, #tpu.memory_space<hbm>> -> memref<1x1x40x128xi32, #tpu.memory_space<hbm>>
      %dma_wait3A_109 = tpu.memref_squeeze %dma_wait3A_108 : memref<1x1x40x128xi32, #tpu.memory_space<hbm>> -> memref<40x128xi32, #tpu.memory_space<hbm>>
      %dma_wait3A_110 = arith.constant 40 : i32
      %dma_wait3A_111 = arith.constant 0 : i32
      %dma_wait3A_112 = tpu.memref_slice %arg5[%dma_wait3A_110, %dma_wait3A_111] : memref<80x128xi32, #tpu.memory_space<vmem>> -> memref<40x128xi32, #tpu.memory_space<vmem>>
      %dma_wait3A_113 = arith.constant 0 : i32
      %dma_wait3A_114 = arith.constant 0 : i32
      %dma_wait3A_115 = tpu.memref_slice %arg2[%run_scoped3A_61, %add3A_60, %dma_wait3A_113, %dma_wait3A_114] : memref<2x64x40x128xi32, #tpu.memory_space<hbm>> -> memref<1x1x40x128xi32, #tpu.memory_space<hbm>>
      %dma_wait3A_116 = tpu.memref_squeeze %dma_wait3A_115 : memref<1x1x40x128xi32, #tpu.memory_space<hbm>> -> memref<40x128xi32, #tpu.memory_space<hbm>>
      tpu.wait_dma2 semaphore(%run_scoped3A_89 : memref<!tpu.dma_semaphore, #tpu.memory_space<semaphore_mem>>) src(%dma_wait3A_116 : memref<40x128xi32, #tpu.memory_space<hbm>>) dst(%dma_wait3A_112 : memref<40x128xi32, #tpu.memory_space<vmem>>)
      tpu.yield
    }) : () -> ()
    %mul3A_62 = arith.constant 2 : i32
    %mul3A_63 = arith.muli %mul3A_62, %add3A : i32
    %run_scoped3A_64 = arith.constant 1 : i32
    "tpu.region"() ({
      %run_scoped3A_89 = tpu.sem_alloc : memref<!tpu.dma_semaphore, #tpu.memory_space<semaphore_mem>>
      %dma_start3A = arith.constant 0 : i32
      %dma_start3A_90 = arith.constant 0 : i32
      %dma_start3A_91 = tpu.memref_slice %arg6[%dma_start3A, %dma_start3A_90] : memref<80x128xi32, #tpu.memory_space<vmem>> -> memref<40x128xi32, #tpu.memory_space<vmem>>
      %dma_start3A_92 = arith.constant 0 : i32
      %dma_start3A_93 = arith.constant 0 : i32
      %dma_start3A_94 = tpu.memref_slice %arg2[%run_scoped3A_64, %mul3A_63, %dma_start3A_92, %dma_start3A_93] : memref<2x64x40x128xi32, #tpu.memory_space<hbm>> -> memref<1x1x40x128xi32, #tpu.memory_space<hbm>>
      %dma_start3A_95 = tpu.memref_squeeze %dma_start3A_94 : memref<1x1x40x128xi32, #tpu.memory_space<hbm>> -> memref<40x128xi32, #tpu.memory_space<hbm>>
      %dma_start3A_96 = arith.constant 0 : i32
      %dma_start3A_97 = arith.constant 0 : i32
      %dma_start3A_98 = tpu.memref_slice %arg6[%dma_start3A_96, %dma_start3A_97] : memref<80x128xi32, #tpu.memory_space<vmem>> -> memref<40x128xi32, #tpu.memory_space<vmem>>
      %dma_start3A_99 = arith.constant 0 : i32
      %dma_start3A_100 = arith.constant 0 : i32
      %dma_start3A_101 = tpu.memref_slice %arg2[%run_scoped3A_64, %mul3A_63, %dma_start3A_99, %dma_start3A_100] : memref<2x64x40x128xi32, #tpu.memory_space<hbm>> -> memref<1x1x40x128xi32, #tpu.memory_space<hbm>>
      %dma_start3A_102 = tpu.memref_squeeze %dma_start3A_101 : memref<1x1x40x128xi32, #tpu.memory_space<hbm>> -> memref<40x128xi32, #tpu.memory_space<hbm>>
      tpu.enqueue_dma source(%dma_start3A_102 : memref<40x128xi32, #tpu.memory_space<hbm>>) target(%dma_start3A_98 : memref<40x128xi32, #tpu.memory_space<vmem>>) target_semaphore(%run_scoped3A_89 : memref<!tpu.dma_semaphore, #tpu.memory_space<semaphore_mem>>)
      %dma_wait3A_103 = arith.constant 0 : i32
      %dma_wait3A_104 = arith.constant 0 : i32
      %dma_wait3A_105 = tpu.memref_slice %arg6[%dma_wait3A_103, %dma_wait3A_104] : memref<80x128xi32, #tpu.memory_space<vmem>> -> memref<40x128xi32, #tpu.memory_space<vmem>>
      %dma_wait3A_106 = arith.constant 0 : i32
      %dma_wait3A_107 = arith.constant 0 : i32
      %dma_wait3A_108 = tpu.memref_slice %arg2[%run_scoped3A_64, %mul3A_63, %dma_wait3A_106, %dma_wait3A_107] : memref<2x64x40x128xi32, #tpu.memory_space<hbm>> -> memref<1x1x40x128xi32, #tpu.memory_space<hbm>>
      %dma_wait3A_109 = tpu.memref_squeeze %dma_wait3A_108 : memref<1x1x40x128xi32, #tpu.memory_space<hbm>> -> memref<40x128xi32, #tpu.memory_space<hbm>>
      %dma_wait3A_110 = arith.constant 0 : i32
      %dma_wait3A_111 = arith.constant 0 : i32
      %dma_wait3A_112 = tpu.memref_slice %arg6[%dma_wait3A_110, %dma_wait3A_111] : memref<80x128xi32, #tpu.memory_space<vmem>> -> memref<40x128xi32, #tpu.memory_space<vmem>>
      %dma_wait3A_113 = arith.constant 0 : i32
      %dma_wait3A_114 = arith.constant 0 : i32
      %dma_wait3A_115 = tpu.memref_slice %arg2[%run_scoped3A_64, %mul3A_63, %dma_wait3A_113, %dma_wait3A_114] : memref<2x64x40x128xi32, #tpu.memory_space<hbm>> -> memref<1x1x40x128xi32, #tpu.memory_space<hbm>>
      %dma_wait3A_116 = tpu.memref_squeeze %dma_wait3A_115 : memref<1x1x40x128xi32, #tpu.memory_space<hbm>> -> memref<40x128xi32, #tpu.memory_space<hbm>>
      tpu.wait_dma2 semaphore(%run_scoped3A_89 : memref<!tpu.dma_semaphore, #tpu.memory_space<semaphore_mem>>) src(%dma_wait3A_116 : memref<40x128xi32, #tpu.memory_space<hbm>>) dst(%dma_wait3A_112 : memref<40x128xi32, #tpu.memory_space<vmem>>)
      tpu.yield
    }) : () -> ()
    %mul3A_65 = arith.constant 2 : i32
    %mul3A_66 = arith.muli %mul3A_65, %add3A : i32
    %add3A_67 = arith.constant 1 : i32
    %add3A_68 = arith.addi %mul3A_66, %add3A_67 : i32
    %run_scoped3A_69 = arith.constant 1 : i32
    "tpu.region"() ({
      %run_scoped3A_89 = tpu.sem_alloc : memref<!tpu.dma_semaphore, #tpu.memory_space<semaphore_mem>>
      %dma_start3A = arith.constant 40 : i32
      %dma_start3A_90 = arith.constant 0 : i32
      %dma_start3A_91 = tpu.memref_slice %arg6[%dma_start3A, %dma_start3A_90] : memref<80x128xi32, #tpu.memory_space<vmem>> -> memref<40x128xi32, #tpu.memory_space<vmem>>
      %dma_start3A_92 = arith.constant 0 : i32
      %dma_start3A_93 = arith.constant 0 : i32
      %dma_start3A_94 = tpu.memref_slice %arg2[%run_scoped3A_69, %add3A_68, %dma_start3A_92, %dma_start3A_93] : memref<2x64x40x128xi32, #tpu.memory_space<hbm>> -> memref<1x1x40x128xi32, #tpu.memory_space<hbm>>
      %dma_start3A_95 = tpu.memref_squeeze %dma_start3A_94 : memref<1x1x40x128xi32, #tpu.memory_space<hbm>> -> memref<40x128xi32, #tpu.memory_space<hbm>>
      %dma_start3A_96 = arith.constant 40 : i32
      %dma_start3A_97 = arith.constant 0 : i32
      %dma_start3A_98 = tpu.memref_slice %arg6[%dma_start3A_96, %dma_start3A_97] : memref<80x128xi32, #tpu.memory_space<vmem>> -> memref<40x128xi32, #tpu.memory_space<vmem>>
      %dma_start3A_99 = arith.constant 0 : i32
      %dma_start3A_100 = arith.constant 0 : i32
      %dma_start3A_101 = tpu.memref_slice %arg2[%run_scoped3A_69, %add3A_68, %dma_start3A_99, %dma_start3A_100] : memref<2x64x40x128xi32, #tpu.memory_space<hbm>> -> memref<1x1x40x128xi32, #tpu.memory_space<hbm>>
      %dma_start3A_102 = tpu.memref_squeeze %dma_start3A_101 : memref<1x1x40x128xi32, #tpu.memory_space<hbm>> -> memref<40x128xi32, #tpu.memory_space<hbm>>
      tpu.enqueue_dma source(%dma_start3A_102 : memref<40x128xi32, #tpu.memory_space<hbm>>) target(%dma_start3A_98 : memref<40x128xi32, #tpu.memory_space<vmem>>) target_semaphore(%run_scoped3A_89 : memref<!tpu.dma_semaphore, #tpu.memory_space<semaphore_mem>>)
      %dma_wait3A_103 = arith.constant 40 : i32
      %dma_wait3A_104 = arith.constant 0 : i32
      %dma_wait3A_105 = tpu.memref_slice %arg6[%dma_wait3A_103, %dma_wait3A_104] : memref<80x128xi32, #tpu.memory_space<vmem>> -> memref<40x128xi32, #tpu.memory_space<vmem>>
      %dma_wait3A_106 = arith.constant 0 : i32
      %dma_wait3A_107 = arith.constant 0 : i32
      %dma_wait3A_108 = tpu.memref_slice %arg2[%run_scoped3A_69, %add3A_68, %dma_wait3A_106, %dma_wait3A_107] : memref<2x64x40x128xi32, #tpu.memory_space<hbm>> -> memref<1x1x40x128xi32, #tpu.memory_space<hbm>>
      %dma_wait3A_109 = tpu.memref_squeeze %dma_wait3A_108 : memref<1x1x40x128xi32, #tpu.memory_space<hbm>> -> memref<40x128xi32, #tpu.memory_space<hbm>>
      %dma_wait3A_110 = arith.constant 40 : i32
      %dma_wait3A_111 = arith.constant 0 : i32
      %dma_wait3A_112 = tpu.memref_slice %arg6[%dma_wait3A_110, %dma_wait3A_111] : memref<80x128xi32, #tpu.memory_space<vmem>> -> memref<40x128xi32, #tpu.memory_space<vmem>>
      %dma_wait3A_113 = arith.constant 0 : i32
      %dma_wait3A_114 = arith.constant 0 : i32
      %dma_wait3A_115 = tpu.memref_slice %arg2[%run_scoped3A_69, %add3A_68, %dma_wait3A_113, %dma_wait3A_114] : memref<2x64x40x128xi32, #tpu.memory_space<hbm>> -> memref<1x1x40x128xi32, #tpu.memory_space<hbm>>
      %dma_wait3A_116 = tpu.memref_squeeze %dma_wait3A_115 : memref<1x1x40x128xi32, #tpu.memory_space<hbm>> -> memref<40x128xi32, #tpu.memory_space<hbm>>
      tpu.wait_dma2 semaphore(%run_scoped3A_89 : memref<!tpu.dma_semaphore, #tpu.memory_space<semaphore_mem>>) src(%dma_wait3A_116 : memref<40x128xi32, #tpu.memory_space<hbm>>) dst(%dma_wait3A_112 : memref<40x128xi32, #tpu.memory_space<vmem>>)
      tpu.yield
    }) : () -> ()
    %barrier3A = arith.constant 0 : index
    tpu.barrier barrier_id(%barrier3A)
    %scan3A_70 = arith.constant 0 : i32
    %scan3A_71 = arith.constant 0 : i32
    %scan3A_72 = arith.constant 80 : i32
    %scan3A_73 = arith.addi %scan3A_71, %scan3A_72 : i32
    %scan3A_74 = arith.constant 1 : i32
    %scan3A_75 = scf.for %scan3A_89 = %scan3A_71 to %scan3A_73 step %scan3A_74 iter_args(%scan3A_90 = %scan3A_70) -> (i32)  : i32 {
      %dma_start3A = arith.constant 0 : i32
      %dma_start3A_91 = tpu.memref_slice %arg5[%scan3A_89, %dma_start3A] : memref<80x128xi32, #tpu.memory_space<vmem>> -> memref<1x128xi32, #tpu.memory_space<vmem>>
      %dma_start3A_92 = tpu.memref_squeeze %dma_start3A_91 : memref<1x128xi32, #tpu.memory_space<vmem>> -> memref<128xi32, #tpu.memory_space<vmem>>
      %dma_start3A_93 = arith.constant 0 : i32
      %dma_start3A_94 = tpu.memref_slice %arg9[%dma_start3A_93] : memref<10240xf32, #tpu.memory_space<vmem_shared>> -> memref<10240xf32, #tpu.memory_space<vmem_shared>>
      tpu.enqueue_indirect_dma source(%arg7 : memref<128xf32, #tpu.memory_space<vmem>>) target(%dma_start3A_94 : memref<10240xf32, #tpu.memory_space<vmem_shared>>) offsets(%dma_start3A_92 : memref<128xi32, #tpu.memory_space<vmem>>) semaphore(%arg11 : memref<!tpu.dma_semaphore, #tpu.memory_space<semaphore_mem>>) {add = true}
      %dma_start3A_95 = arith.constant 0 : i32
      %dma_start3A_96 = tpu.memref_slice %arg6[%scan3A_89, %dma_start3A_95] : memref<80x128xi32, #tpu.memory_space<vmem>> -> memref<1x128xi32, #tpu.memory_space<vmem>>
      %dma_start3A_97 = tpu.memref_squeeze %dma_start3A_96 : memref<1x128xi32, #tpu.memory_space<vmem>> -> memref<128xi32, #tpu.memory_space<vmem>>
      %dma_start3A_98 = arith.constant 0 : i32
      %dma_start3A_99 = tpu.memref_slice %arg10[%dma_start3A_98] : memref<10240xf32, #tpu.memory_space<vmem_shared>> -> memref<10240xf32, #tpu.memory_space<vmem_shared>>
      tpu.enqueue_indirect_dma source(%arg7 : memref<128xf32, #tpu.memory_space<vmem>>) target(%dma_start3A_99 : memref<10240xf32, #tpu.memory_space<vmem_shared>>) offsets(%dma_start3A_97 : memref<128xi32, #tpu.memory_space<vmem>>) semaphore(%arg11 : memref<!tpu.dma_semaphore, #tpu.memory_space<semaphore_mem>>) {add = true}
      %gt3A = arith.constant 0 : i32
      %gt3A_100 = arith.cmpi sgt, %scan3A_89, %gt3A : i32
      %convert_element_type3A = arith.extui %gt3A_100 : i1 to i32
      %cond3A = arith.constant 0 : i32
      %cond3A_101 = arith.cmpi ne, %convert_element_type3A, %cond3A : i32
      scf.if %cond3A_101 {
        %sub3A = arith.constant 1 : i32
        %sub3A_103 = arith.subi %scan3A_89, %sub3A : i32
        %dma_wait3A_104 = arith.constant 0 : i32
        %dma_wait3A_105 = tpu.memref_slice %arg5[%sub3A_103, %dma_wait3A_104] : memref<80x128xi32, #tpu.memory_space<vmem>> -> memref<1x128xi32, #tpu.memory_space<vmem>>
        %dma_wait3A_106 = tpu.memref_squeeze %dma_wait3A_105 : memref<1x128xi32, #tpu.memory_space<vmem>> -> memref<128xi32, #tpu.memory_space<vmem>>
        %dma_wait3A_107 = arith.constant 0 : i32
        %dma_wait3A_108 = tpu.memref_slice %arg9[%dma_wait3A_107] : memref<10240xf32, #tpu.memory_space<vmem_shared>> -> memref<10240xf32, #tpu.memory_space<vmem_shared>>
        tpu.wait_indirect_dma semaphore(%arg11 : memref<!tpu.dma_semaphore, #tpu.memory_space<semaphore_mem>>) src(%arg7 : memref<128xf32, #tpu.memory_space<vmem>>) dst(%dma_wait3A_108 : memref<10240xf32, #tpu.memory_space<vmem_shared>>)
        %sub3A_109 = arith.constant 1 : i32
        %sub3A_110 = arith.subi %scan3A_89, %sub3A_109 : i32
        %dma_wait3A_111 = arith.constant 0 : i32
        %dma_wait3A_112 = tpu.memref_slice %arg6[%sub3A_110, %dma_wait3A_111] : memref<80x128xi32, #tpu.memory_space<vmem>> -> memref<1x128xi32, #tpu.memory_space<vmem>>
        %dma_wait3A_113 = tpu.memref_squeeze %dma_wait3A_112 : memref<1x128xi32, #tpu.memory_space<vmem>> -> memref<128xi32, #tpu.memory_space<vmem>>
        %dma_wait3A_114 = arith.constant 0 : i32
        %dma_wait3A_115 = tpu.memref_slice %arg10[%dma_wait3A_114] : memref<10240xf32, #tpu.memory_space<vmem_shared>> -> memref<10240xf32, #tpu.memory_space<vmem_shared>>
        tpu.wait_indirect_dma semaphore(%arg11 : memref<!tpu.dma_semaphore, #tpu.memory_space<semaphore_mem>>) src(%arg7 : memref<128xf32, #tpu.memory_space<vmem>>) dst(%dma_wait3A_115 : memref<10240xf32, #tpu.memory_space<vmem_shared>>)
      } else {
      }
      %scan3A_102 = arith.constant 0 : i32
      scf.yield %scan3A_102 : i32
    }
    %scan3A_76 = arith.constant 80 : i32
    %dma_wait3A = arith.constant 79 : i32
    %dma_wait3A_77 = arith.constant 0 : i32
    %dma_wait3A_78 = tpu.memref_slice %arg5[%dma_wait3A, %dma_wait3A_77] : memref<80x128xi32, #tpu.memory_space<vmem>> -> memref<1x128xi32, #tpu.memory_space<vmem>>
    %dma_wait3A_79 = tpu.memref_squeeze %dma_wait3A_78 : memref<1x128xi32, #tpu.memory_space<vmem>> -> memref<128xi32, #tpu.memory_space<vmem>>
    %dma_wait3A_80 = arith.constant 0 : i32
    %dma_wait3A_81 = tpu.memref_slice %arg9[%dma_wait3A_80] : memref<10240xf32, #tpu.memory_space<vmem_shared>> -> memref<10240xf32, #tpu.memory_space<vmem_shared>>
    tpu.wait_indirect_dma semaphore(%arg11 : memref<!tpu.dma_semaphore, #tpu.memory_space<semaphore_mem>>) src(%arg7 : memref<128xf32, #tpu.memory_space<vmem>>) dst(%dma_wait3A_81 : memref<10240xf32, #tpu.memory_space<vmem_shared>>)
    %dma_wait3A_82 = arith.constant 79 : i32
    %dma_wait3A_83 = arith.constant 0 : i32
    %dma_wait3A_84 = tpu.memref_slice %arg6[%dma_wait3A_82, %dma_wait3A_83] : memref<80x128xi32, #tpu.memory_space<vmem>> -> memref<1x128xi32, #tpu.memory_space<vmem>>
    %dma_wait3A_85 = tpu.memref_squeeze %dma_wait3A_84 : memref<1x128xi32, #tpu.memory_space<vmem>> -> memref<128xi32, #tpu.memory_space<vmem>>
    %dma_wait3A_86 = arith.constant 0 : i32
    %dma_wait3A_87 = tpu.memref_slice %arg10[%dma_wait3A_86] : memref<10240xf32, #tpu.memory_space<vmem_shared>> -> memref<10240xf32, #tpu.memory_space<vmem_shared>>
    tpu.wait_indirect_dma semaphore(%arg11 : memref<!tpu.dma_semaphore, #tpu.memory_space<semaphore_mem>>) src(%arg7 : memref<128xf32, #tpu.memory_space<vmem>>) dst(%dma_wait3A_87 : memref<10240xf32, #tpu.memory_space<vmem_shared>>)
    %barrier3A_88 = arith.constant 0 : index
    tpu.barrier barrier_id(%barrier3A_88)
    "tpu.region"() ({
      %run_scoped3A_89 = tpu.sem_alloc : memref<!tpu.dma_semaphore, #tpu.memory_space<semaphore_mem>>
      %dma_start3A = tpu.memref_slice %arg9[%mul3A_54] : memref<10240xf32, #tpu.memory_space<vmem_shared>> -> memref<640xf32, #tpu.memory_space<vmem_shared>>
      %dma_start3A_90 = tpu.memref_slice %arg9[%mul3A_54] : memref<10240xf32, #tpu.memory_space<vmem_shared>> -> memref<640xf32, #tpu.memory_space<vmem_shared>>
      tpu.enqueue_dma source(%dma_start3A_90 : memref<640xf32, #tpu.memory_space<vmem_shared>>) target(%arg8 : memref<640xf32, #tpu.memory_space<vmem>>) target_semaphore(%run_scoped3A_89 : memref<!tpu.dma_semaphore, #tpu.memory_space<semaphore_mem>>)
      %dma_wait3A_91 = tpu.memref_slice %arg9[%mul3A_54] : memref<10240xf32, #tpu.memory_space<vmem_shared>> -> memref<640xf32, #tpu.memory_space<vmem_shared>>
      %dma_wait3A_92 = tpu.memref_slice %arg9[%mul3A_54] : memref<10240xf32, #tpu.memory_space<vmem_shared>> -> memref<640xf32, #tpu.memory_space<vmem_shared>>
      tpu.wait_dma2 semaphore(%run_scoped3A_89 : memref<!tpu.dma_semaphore, #tpu.memory_space<semaphore_mem>>) src(%dma_wait3A_92 : memref<640xf32, #tpu.memory_space<vmem_shared>>) dst(%arg8 : memref<640xf32, #tpu.memory_space<vmem>>)
      tpu.yield
    }) : () -> ()
    "tpu.region"() ({
      %run_scoped3A_89 = tpu.sem_alloc : memref<!tpu.dma_semaphore, #tpu.memory_space<semaphore_mem>>
      %dma_start3A = tpu.memref_slice %arg3[%arg0, %mul3A_54] : memref<2x10240xf32, #tpu.memory_space<hbm>> -> memref<1x640xf32, #tpu.memory_space<hbm>>
      %dma_start3A_90 = tpu.memref_squeeze %dma_start3A : memref<1x640xf32, #tpu.memory_space<hbm>> -> memref<640xf32, #tpu.memory_space<hbm>>
      %dma_start3A_91 = tpu.memref_slice %arg3[%arg0, %mul3A_54] : memref<2x10240xf32, #tpu.memory_space<hbm>> -> memref<1x640xf32, #tpu.memory_space<hbm>>
      %dma_start3A_92 = tpu.memref_squeeze %dma_start3A_91 : memref<1x640xf32, #tpu.memory_space<hbm>> -> memref<640xf32, #tpu.memory_space<hbm>>
      tpu.enqueue_dma source(%arg8 : memref<640xf32, #tpu.memory_space<vmem>>) target(%dma_start3A_92 : memref<640xf32, #tpu.memory_space<hbm>>) target_semaphore(%run_scoped3A_89 : memref<!tpu.dma_semaphore, #tpu.memory_space<semaphore_mem>>)
      %dma_wait3A_93 = tpu.memref_slice %arg3[%arg0, %mul3A_54] : memref<2x10240xf32, #tpu.memory_space<hbm>> -> memref<1x640xf32, #tpu.memory_space<hbm>>
      %dma_wait3A_94 = tpu.memref_squeeze %dma_wait3A_93 : memref<1x640xf32, #tpu.memory_space<hbm>> -> memref<640xf32, #tpu.memory_space<hbm>>
      %dma_wait3A_95 = tpu.memref_slice %arg3[%arg0, %mul3A_54] : memref<2x10240xf32, #tpu.memory_space<hbm>> -> memref<1x640xf32, #tpu.memory_space<hbm>>
      %dma_wait3A_96 = tpu.memref_squeeze %dma_wait3A_95 : memref<1x640xf32, #tpu.memory_space<hbm>> -> memref<640xf32, #tpu.memory_space<hbm>>
      tpu.wait_dma2 semaphore(%run_scoped3A_89 : memref<!tpu.dma_semaphore, #tpu.memory_space<semaphore_mem>>) src(%arg8 : memref<640xf32, #tpu.memory_space<vmem>>) dst(%dma_wait3A_96 : memref<640xf32, #tpu.memory_space<hbm>>)
      tpu.yield
    }) : () -> ()
    "tpu.region"() ({
      %run_scoped3A_89 = tpu.sem_alloc : memref<!tpu.dma_semaphore, #tpu.memory_space<semaphore_mem>>
      %dma_start3A = tpu.memref_slice %arg10[%mul3A_54] : memref<10240xf32, #tpu.memory_space<vmem_shared>> -> memref<640xf32, #tpu.memory_space<vmem_shared>>
      %dma_start3A_90 = tpu.memref_slice %arg10[%mul3A_54] : memref<10240xf32, #tpu.memory_space<vmem_shared>> -> memref<640xf32, #tpu.memory_space<vmem_shared>>
      tpu.enqueue_dma source(%dma_start3A_90 : memref<640xf32, #tpu.memory_space<vmem_shared>>) target(%arg8 : memref<640xf32, #tpu.memory_space<vmem>>) target_semaphore(%run_scoped3A_89 : memref<!tpu.dma_semaphore, #tpu.memory_space<semaphore_mem>>)
      %dma_wait3A_91 = tpu.memref_slice %arg10[%mul3A_54] : memref<10240xf32, #tpu.memory_space<vmem_shared>> -> memref<640xf32, #tpu.memory_space<vmem_shared>>
      %dma_wait3A_92 = tpu.memref_slice %arg10[%mul3A_54] : memref<10240xf32, #tpu.memory_space<vmem_shared>> -> memref<640xf32, #tpu.memory_space<vmem_shared>>
      tpu.wait_dma2 semaphore(%run_scoped3A_89 : memref<!tpu.dma_semaphore, #tpu.memory_space<semaphore_mem>>) src(%dma_wait3A_92 : memref<640xf32, #tpu.memory_space<vmem_shared>>) dst(%arg8 : memref<640xf32, #tpu.memory_space<vmem>>)
      tpu.yield
    }) : () -> ()
    "tpu.region"() ({
      %run_scoped3A_89 = tpu.sem_alloc : memref<!tpu.dma_semaphore, #tpu.memory_space<semaphore_mem>>
      %dma_start3A = tpu.memref_slice %arg4[%arg0, %mul3A_54] : memref<2x10240xf32, #tpu.memory_space<hbm>> -> memref<1x640xf32, #tpu.memory_space<hbm>>
      %dma_start3A_90 = tpu.memref_squeeze %dma_start3A : memref<1x640xf32, #tpu.memory_space<hbm>> -> memref<640xf32, #tpu.memory_space<hbm>>
      %dma_start3A_91 = tpu.memref_slice %arg4[%arg0, %mul3A_54] : memref<2x10240xf32, #tpu.memory_space<hbm>> -> memref<1x640xf32, #tpu.memory_space<hbm>>
      %dma_start3A_92 = tpu.memref_squeeze %dma_start3A_91 : memref<1x640xf32, #tpu.memory_space<hbm>> -> memref<640xf32, #tpu.memory_space<hbm>>
      tpu.enqueue_dma source(%arg8 : memref<640xf32, #tpu.memory_space<vmem>>) target(%dma_start3A_92 : memref<640xf32, #tpu.memory_space<hbm>>) target_semaphore(%run_scoped3A_89 : memref<!tpu.dma_semaphore, #tpu.memory_space<semaphore_mem>>)
      %dma_wait3A_93 = tpu.memref_slice %arg4[%arg0, %mul3A_54] : memref<2x10240xf32, #tpu.memory_space<hbm>> -> memref<1x640xf32, #tpu.memory_space<hbm>>
      %dma_wait3A_94 = tpu.memref_squeeze %dma_wait3A_93 : memref<1x640xf32, #tpu.memory_space<hbm>> -> memref<640xf32, #tpu.memory_space<hbm>>
      %dma_wait3A_95 = tpu.memref_slice %arg4[%arg0, %mul3A_54] : memref<2x10240xf32, #tpu.memory_space<hbm>> -> memref<1x640xf32, #tpu.memory_space<hbm>>
      %dma_wait3A_96 = tpu.memref_squeeze %dma_wait3A_95 : memref<1x640xf32, #tpu.memory_space<hbm>> -> memref<640xf32, #tpu.memory_space<hbm>>
      tpu.wait_dma2 semaphore(%run_scoped3A_89 : memref<!tpu.dma_semaphore, #tpu.memory_space<semaphore_mem>>) src(%arg8 : memref<640xf32, #tpu.memory_space<vmem>>) dst(%dma_wait3A_96 : memref<640xf32, #tpu.memory_space<hbm>>)
      tpu.yield
    }) : () -> ()
    return
  }
}

#map = affine_map<(d0, d1) -> (0, 0)>
#map1 = affine_map<(d0, d1) -> (0, 0, 0, 0)>
#map2 = affine_map<(d0, d1) -> (0, 0, 0)>
module attributes {stable_mosaic.version = 14 : i64} {
  func.func @_spmm_kernel(%arg0: i32, %arg1: i32, %arg2: memref<10240x128xf32, #tpu.memory_space<hbm>>, %arg3: memref<2x64x40x128xi32, #tpu.memory_space<hbm>>, %arg4: memref<2x10240x128xf32, #tpu.memory_space<hbm>>, %arg5: memref<40x128xi32, #tpu.memory_space<vmem>>, %arg6: memref<40x128xi32, #tpu.memory_space<vmem>>, %arg7: memref<2x128x128xf32, #tpu.memory_space<vmem>>, %arg8: memref<10240x128xf32, #tpu.memory_space<vmem_shared>>, %arg9: memref<!tpu.dma_semaphore, #tpu.memory_space<semaphore_mem>>, %arg10: memref<!tpu.dma_semaphore, #tpu.memory_space<semaphore_mem>>, %arg11: memref<!tpu.dma_semaphore, #tpu.memory_space<semaphore_mem>>) attributes {dimension_semantics = [#tpu.dimension_semantics<core_parallel>, #tpu.dimension_semantics<subcore_parallel>], iteration_bounds = array<i64: 2, 16>, scalar_prefetch = 0 : i64, scratch_operands = 7 : i64, tpu.core_type = #tpu.core_type<sc_vector_subcore>, window_params = [{transform_indices = #map}, {transform_indices = #map1}, {transform_indices = #map2}]} {
    %mul3A = arith.constant 16 : i32
    %mul3A_0 = arith.muli %arg0, %mul3A : i32
    %add3A = arith.addi %mul3A_0, %arg1 : i32
    %scan3A = arith.constant 0 : i32
    %scan3A_1 = arith.constant 0 : i32
    %scan3A_2 = arith.constant 128 : i32
    %scan3A_3 = arith.addi %scan3A_1, %scan3A_2 : i32
    %scan3A_4 = arith.constant 1 : i32
    %scan3A_5 = scf.for %scan3A_255 = %scan3A_1 to %scan3A_3 step %scan3A_4 iter_args(%scan3A_256 = %scan3A) -> (i32)  : i32 {
      %broadcast_in_dim3A = arith.constant 0.000000e+00 : f32
      %broadcast_in_dim3A_257 = vector.broadcast %broadcast_in_dim3A : f32 to vector<16xf32>
      %swap3A = arith.constant 0 : i32
      %swap3A_258 = arith.index_cast %swap3A : i32 to index
      %swap3A_259 = arith.index_cast %scan3A_255 : i32 to index
      %swap3A_260 = arith.constant 0 : index
      %swap3A_261 = tpu.vector_load %arg7[%swap3A_258, %swap3A_259, %swap3A_260] {strides = array<i32>} : memref<2x128x128xf32, #tpu.memory_space<vmem>>, vector<1x1x16xf32>,
      %swap3A_262 = vector.shape_cast %swap3A_261 : vector<1x1x16xf32> to vector<16xf32>
      %swap3A_263 = vector.shape_cast %broadcast_in_dim3A_257 : vector<16xf32> to vector<1x1x16xf32>
      tpu.vector_store %arg7[%swap3A_258, %swap3A_259, %swap3A_260], %swap3A_263 {strides = array<i32>} : memref<2x128x128xf32, #tpu.memory_space<vmem>>, vector<1x1x16xf32>,
      %broadcast_in_dim3A_264 = arith.constant 0.000000e+00 : f32
      %broadcast_in_dim3A_265 = vector.broadcast %broadcast_in_dim3A_264 : f32 to vector<16xf32>
      %swap3A_266 = arith.constant 0 : i32
      %swap3A_267 = arith.index_cast %swap3A_266 : i32 to index
      %swap3A_268 = arith.index_cast %scan3A_255 : i32 to index
      %swap3A_269 = arith.constant 16 : index
      %swap3A_270 = tpu.vector_load %arg7[%swap3A_267, %swap3A_268, %swap3A_269] {strides = array<i32>} : memref<2x128x128xf32, #tpu.memory_space<vmem>>, vector<1x1x16xf32>,
      %swap3A_271 = vector.shape_cast %swap3A_270 : vector<1x1x16xf32> to vector<16xf32>
      %swap3A_272 = vector.shape_cast %broadcast_in_dim3A_265 : vector<16xf32> to vector<1x1x16xf32>
      tpu.vector_store %arg7[%swap3A_267, %swap3A_268, %swap3A_269], %swap3A_272 {strides = array<i32>} : memref<2x128x128xf32, #tpu.memory_space<vmem>>, vector<1x1x16xf32>,
      %broadcast_in_dim3A_273 = arith.constant 0.000000e+00 : f32
      %broadcast_in_dim3A_274 = vector.broadcast %broadcast_in_dim3A_273 : f32 to vector<16xf32>
      %swap3A_275 = arith.constant 0 : i32
      %swap3A_276 = arith.index_cast %swap3A_275 : i32 to index
      %swap3A_277 = arith.index_cast %scan3A_255 : i32 to index
      %swap3A_278 = arith.constant 32 : index
      %swap3A_279 = tpu.vector_load %arg7[%swap3A_276, %swap3A_277, %swap3A_278] {strides = array<i32>} : memref<2x128x128xf32, #tpu.memory_space<vmem>>, vector<1x1x16xf32>,
      %swap3A_280 = vector.shape_cast %swap3A_279 : vector<1x1x16xf32> to vector<16xf32>
      %swap3A_281 = vector.shape_cast %broadcast_in_dim3A_274 : vector<16xf32> to vector<1x1x16xf32>
      tpu.vector_store %arg7[%swap3A_276, %swap3A_277, %swap3A_278], %swap3A_281 {strides = array<i32>} : memref<2x128x128xf32, #tpu.memory_space<vmem>>, vector<1x1x16xf32>,
      %broadcast_in_dim3A_282 = arith.constant 0.000000e+00 : f32
      %broadcast_in_dim3A_283 = vector.broadcast %broadcast_in_dim3A_282 : f32 to vector<16xf32>
      %swap3A_284 = arith.constant 0 : i32
      %swap3A_285 = arith.index_cast %swap3A_284 : i32 to index
      %swap3A_286 = arith.index_cast %scan3A_255 : i32 to index
      %swap3A_287 = arith.constant 48 : index
      %swap3A_288 = tpu.vector_load %arg7[%swap3A_285, %swap3A_286, %swap3A_287] {strides = array<i32>} : memref<2x128x128xf32, #tpu.memory_space<vmem>>, vector<1x1x16xf32>,
      %swap3A_289 = vector.shape_cast %swap3A_288 : vector<1x1x16xf32> to vector<16xf32>
      %swap3A_290 = vector.shape_cast %broadcast_in_dim3A_283 : vector<16xf32> to vector<1x1x16xf32>
      tpu.vector_store %arg7[%swap3A_285, %swap3A_286, %swap3A_287], %swap3A_290 {strides = array<i32>} : memref<2x128x128xf32, #tpu.memory_space<vmem>>, vector<1x1x16xf32>,
      %broadcast_in_dim3A_291 = arith.constant 0.000000e+00 : f32
      %broadcast_in_dim3A_292 = vector.broadcast %broadcast_in_dim3A_291 : f32 to vector<16xf32>
      %swap3A_293 = arith.constant 0 : i32
      %swap3A_294 = arith.index_cast %swap3A_293 : i32 to index
      %swap3A_295 = arith.index_cast %scan3A_255 : i32 to index
      %swap3A_296 = arith.constant 64 : index
      %swap3A_297 = tpu.vector_load %arg7[%swap3A_294, %swap3A_295, %swap3A_296] {strides = array<i32>} : memref<2x128x128xf32, #tpu.memory_space<vmem>>, vector<1x1x16xf32>,
      %swap3A_298 = vector.shape_cast %swap3A_297 : vector<1x1x16xf32> to vector<16xf32>
      %swap3A_299 = vector.shape_cast %broadcast_in_dim3A_292 : vector<16xf32> to vector<1x1x16xf32>
      tpu.vector_store %arg7[%swap3A_294, %swap3A_295, %swap3A_296], %swap3A_299 {strides = array<i32>} : memref<2x128x128xf32, #tpu.memory_space<vmem>>, vector<1x1x16xf32>,
      %broadcast_in_dim3A_300 = arith.constant 0.000000e+00 : f32
      %broadcast_in_dim3A_301 = vector.broadcast %broadcast_in_dim3A_300 : f32 to vector<16xf32>
      %swap3A_302 = arith.constant 0 : i32
      %swap3A_303 = arith.index_cast %swap3A_302 : i32 to index
      %swap3A_304 = arith.index_cast %scan3A_255 : i32 to index
      %swap3A_305 = arith.constant 80 : index
      %swap3A_306 = tpu.vector_load %arg7[%swap3A_303, %swap3A_304, %swap3A_305] {strides = array<i32>} : memref<2x128x128xf32, #tpu.memory_space<vmem>>, vector<1x1x16xf32>,
      %swap3A_307 = vector.shape_cast %swap3A_306 : vector<1x1x16xf32> to vector<16xf32>
      %swap3A_308 = vector.shape_cast %broadcast_in_dim3A_301 : vector<16xf32> to vector<1x1x16xf32>
      tpu.vector_store %arg7[%swap3A_303, %swap3A_304, %swap3A_305], %swap3A_308 {strides = array<i32>} : memref<2x128x128xf32, #tpu.memory_space<vmem>>, vector<1x1x16xf32>,
      %broadcast_in_dim3A_309 = arith.constant 0.000000e+00 : f32
      %broadcast_in_dim3A_310 = vector.broadcast %broadcast_in_dim3A_309 : f32 to vector<16xf32>
      %swap3A_311 = arith.constant 0 : i32
      %swap3A_312 = arith.index_cast %swap3A_311 : i32 to index
      %swap3A_313 = arith.index_cast %scan3A_255 : i32 to index
      %swap3A_314 = arith.constant 96 : index
      %swap3A_315 = tpu.vector_load %arg7[%swap3A_312, %swap3A_313, %swap3A_314] {strides = array<i32>} : memref<2x128x128xf32, #tpu.memory_space<vmem>>, vector<1x1x16xf32>,
      %swap3A_316 = vector.shape_cast %swap3A_315 : vector<1x1x16xf32> to vector<16xf32>
      %swap3A_317 = vector.shape_cast %broadcast_in_dim3A_310 : vector<16xf32> to vector<1x1x16xf32>
      tpu.vector_store %arg7[%swap3A_312, %swap3A_313, %swap3A_314], %swap3A_317 {strides = array<i32>} : memref<2x128x128xf32, #tpu.memory_space<vmem>>, vector<1x1x16xf32>,
      %broadcast_in_dim3A_318 = arith.constant 0.000000e+00 : f32
      %broadcast_in_dim3A_319 = vector.broadcast %broadcast_in_dim3A_318 : f32 to vector<16xf32>
      %swap3A_320 = arith.constant 0 : i32
      %swap3A_321 = arith.index_cast %swap3A_320 : i32 to index
      %swap3A_322 = arith.index_cast %scan3A_255 : i32 to index
      %swap3A_323 = arith.constant 112 : index
      %swap3A_324 = tpu.vector_load %arg7[%swap3A_321, %swap3A_322, %swap3A_323] {strides = array<i32>} : memref<2x128x128xf32, #tpu.memory_space<vmem>>, vector<1x1x16xf32>,
      %swap3A_325 = vector.shape_cast %swap3A_324 : vector<1x1x16xf32> to vector<16xf32>
      %swap3A_326 = vector.shape_cast %broadcast_in_dim3A_319 : vector<16xf32> to vector<1x1x16xf32>
      tpu.vector_store %arg7[%swap3A_321, %swap3A_322, %swap3A_323], %swap3A_326 {strides = array<i32>} : memref<2x128x128xf32, #tpu.memory_space<vmem>>, vector<1x1x16xf32>,
      %scan3A_327 = arith.constant 0 : i32
      scf.yield %scan3A_327 : i32
    }
    %scan3A_6 = arith.constant 128 : i32
    %mul3A_7 = arith.constant 640 : i32
    %mul3A_8 = arith.muli %arg1, %mul3A_7 : i32
    %add3A_9 = arith.constant 0 : i32
    %add3A_10 = arith.addi %mul3A_8, %add3A_9 : i32
    %run_scoped3A = arith.constant 0 : i32
    "tpu.region"() ({
      %run_scoped3A_255 = tpu.sem_alloc : memref<!tpu.dma_semaphore, #tpu.memory_space<semaphore_mem>>
      %dma_start3A_256 = arith.constant 0 : i32
      %dma_start3A_257 = arith.constant 0 : i32
      %dma_start3A_258 = tpu.memref_slice %arg7[%run_scoped3A, %dma_start3A_256, %dma_start3A_257] : memref<2x128x128xf32, #tpu.memory_space<vmem>> -> memref<1x128x128xf32, #tpu.memory_space<vmem>>
      %dma_start3A_259 = tpu.memref_squeeze %dma_start3A_258 : memref<1x128x128xf32, #tpu.memory_space<vmem>> -> memref<128x128xf32, #tpu.memory_space<vmem>>
      %dma_start3A_260 = arith.constant 0 : i32
      %dma_start3A_261 = tpu.memref_slice %arg8[%add3A_10, %dma_start3A_260] : memref<10240x128xf32, #tpu.memory_space<vmem_shared>> -> memref<128x128xf32, #tpu.memory_space<vmem_shared>>
      %dma_start3A_262 = arith.constant 0 : i32
      %dma_start3A_263 = tpu.memref_slice %arg8[%add3A_10, %dma_start3A_262] : memref<10240x128xf32, #tpu.memory_space<vmem_shared>> -> memref<128x128xf32, #tpu.memory_space<vmem_shared>>
      %dma_start3A_264 = arith.constant 0 : i32
      %dma_start3A_265 = arith.constant 0 : i32
      %dma_start3A_266 = tpu.memref_slice %arg7[%run_scoped3A, %dma_start3A_264, %dma_start3A_265] : memref<2x128x128xf32, #tpu.memory_space<vmem>> -> memref<1x128x128xf32, #tpu.memory_space<vmem>>
      %dma_start3A_267 = tpu.memref_squeeze %dma_start3A_266 : memref<1x128x128xf32, #tpu.memory_space<vmem>> -> memref<128x128xf32, #tpu.memory_space<vmem>>
      tpu.enqueue_dma source(%dma_start3A_267 : memref<128x128xf32, #tpu.memory_space<vmem>>) target(%dma_start3A_263 : memref<128x128xf32, #tpu.memory_space<vmem_shared>>) target_semaphore(%run_scoped3A_255 : memref<!tpu.dma_semaphore, #tpu.memory_space<semaphore_mem>>)
      %dma_wait3A_268 = arith.constant 0 : i32
      %dma_wait3A_269 = arith.constant 0 : i32
      %dma_wait3A_270 = tpu.memref_slice %arg7[%run_scoped3A, %dma_wait3A_268, %dma_wait3A_269] : memref<2x128x128xf32, #tpu.memory_space<vmem>> -> memref<1x128x128xf32, #tpu.memory_space<vmem>>
      %dma_wait3A_271 = tpu.memref_squeeze %dma_wait3A_270 : memref<1x128x128xf32, #tpu.memory_space<vmem>> -> memref<128x128xf32, #tpu.memory_space<vmem>>
      %dma_wait3A_272 = arith.constant 0 : i32
      %dma_wait3A_273 = tpu.memref_slice %arg8[%add3A_10, %dma_wait3A_272] : memref<10240x128xf32, #tpu.memory_space<vmem_shared>> -> memref<128x128xf32, #tpu.memory_space<vmem_shared>>
      %dma_wait3A_274 = arith.constant 0 : i32
      %dma_wait3A_275 = tpu.memref_slice %arg8[%add3A_10, %dma_wait3A_274] : memref<10240x128xf32, #tpu.memory_space<vmem_shared>> -> memref<128x128xf32, #tpu.memory_space<vmem_shared>>
      %dma_wait3A_276 = arith.constant 0 : i32
      %dma_wait3A_277 = arith.constant 0 : i32
      %dma_wait3A_278 = tpu.memref_slice %arg7[%run_scoped3A, %dma_wait3A_276, %dma_wait3A_277] : memref<2x128x128xf32, #tpu.memory_space<vmem>> -> memref<1x128x128xf32, #tpu.memory_space<vmem>>
      %dma_wait3A_279 = tpu.memref_squeeze %dma_wait3A_278 : memref<1x128x128xf32, #tpu.memory_space<vmem>> -> memref<128x128xf32, #tpu.memory_space<vmem>>
      tpu.wait_dma2 semaphore(%run_scoped3A_255 : memref<!tpu.dma_semaphore, #tpu.memory_space<semaphore_mem>>) src(%dma_wait3A_279 : memref<128x128xf32, #tpu.memory_space<vmem>>) dst(%dma_wait3A_275 : memref<128x128xf32, #tpu.memory_space<vmem_shared>>)
      tpu.yield
    }) : () -> ()
    %add3A_11 = arith.constant 128 : i32
    %add3A_12 = arith.addi %mul3A_8, %add3A_11 : i32
    %run_scoped3A_13 = arith.constant 0 : i32
    "tpu.region"() ({
      %run_scoped3A_255 = tpu.sem_alloc : memref<!tpu.dma_semaphore, #tpu.memory_space<semaphore_mem>>
      %dma_start3A_256 = arith.constant 0 : i32
      %dma_start3A_257 = arith.constant 0 : i32
      %dma_start3A_258 = tpu.memref_slice %arg7[%run_scoped3A_13, %dma_start3A_256, %dma_start3A_257] : memref<2x128x128xf32, #tpu.memory_space<vmem>> -> memref<1x128x128xf32, #tpu.memory_space<vmem>>
      %dma_start3A_259 = tpu.memref_squeeze %dma_start3A_258 : memref<1x128x128xf32, #tpu.memory_space<vmem>> -> memref<128x128xf32, #tpu.memory_space<vmem>>
      %dma_start3A_260 = arith.constant 0 : i32
      %dma_start3A_261 = tpu.memref_slice %arg8[%add3A_12, %dma_start3A_260] : memref<10240x128xf32, #tpu.memory_space<vmem_shared>> -> memref<128x128xf32, #tpu.memory_space<vmem_shared>>
      %dma_start3A_262 = arith.constant 0 : i32
      %dma_start3A_263 = tpu.memref_slice %arg8[%add3A_12, %dma_start3A_262] : memref<10240x128xf32, #tpu.memory_space<vmem_shared>> -> memref<128x128xf32, #tpu.memory_space<vmem_shared>>
      %dma_start3A_264 = arith.constant 0 : i32
      %dma_start3A_265 = arith.constant 0 : i32
      %dma_start3A_266 = tpu.memref_slice %arg7[%run_scoped3A_13, %dma_start3A_264, %dma_start3A_265] : memref<2x128x128xf32, #tpu.memory_space<vmem>> -> memref<1x128x128xf32, #tpu.memory_space<vmem>>
      %dma_start3A_267 = tpu.memref_squeeze %dma_start3A_266 : memref<1x128x128xf32, #tpu.memory_space<vmem>> -> memref<128x128xf32, #tpu.memory_space<vmem>>
      tpu.enqueue_dma source(%dma_start3A_267 : memref<128x128xf32, #tpu.memory_space<vmem>>) target(%dma_start3A_263 : memref<128x128xf32, #tpu.memory_space<vmem_shared>>) target_semaphore(%run_scoped3A_255 : memref<!tpu.dma_semaphore, #tpu.memory_space<semaphore_mem>>)
      %dma_wait3A_268 = arith.constant 0 : i32
      %dma_wait3A_269 = arith.constant 0 : i32
      %dma_wait3A_270 = tpu.memref_slice %arg7[%run_scoped3A_13, %dma_wait3A_268, %dma_wait3A_269] : memref<2x128x128xf32, #tpu.memory_space<vmem>> -> memref<1x128x128xf32, #tpu.memory_space<vmem>>
      %dma_wait3A_271 = tpu.memref_squeeze %dma_wait3A_270 : memref<1x128x128xf32, #tpu.memory_space<vmem>> -> memref<128x128xf32, #tpu.memory_space<vmem>>
      %dma_wait3A_272 = arith.constant 0 : i32
      %dma_wait3A_273 = tpu.memref_slice %arg8[%add3A_12, %dma_wait3A_272] : memref<10240x128xf32, #tpu.memory_space<vmem_shared>> -> memref<128x128xf32, #tpu.memory_space<vmem_shared>>
      %dma_wait3A_274 = arith.constant 0 : i32
      %dma_wait3A_275 = tpu.memref_slice %arg8[%add3A_12, %dma_wait3A_274] : memref<10240x128xf32, #tpu.memory_space<vmem_shared>> -> memref<128x128xf32, #tpu.memory_space<vmem_shared>>
      %dma_wait3A_276 = arith.constant 0 : i32
      %dma_wait3A_277 = arith.constant 0 : i32
      %dma_wait3A_278 = tpu.memref_slice %arg7[%run_scoped3A_13, %dma_wait3A_276, %dma_wait3A_277] : memref<2x128x128xf32, #tpu.memory_space<vmem>> -> memref<1x128x128xf32, #tpu.memory_space<vmem>>
      %dma_wait3A_279 = tpu.memref_squeeze %dma_wait3A_278 : memref<1x128x128xf32, #tpu.memory_space<vmem>> -> memref<128x128xf32, #tpu.memory_space<vmem>>
      tpu.wait_dma2 semaphore(%run_scoped3A_255 : memref<!tpu.dma_semaphore, #tpu.memory_space<semaphore_mem>>) src(%dma_wait3A_279 : memref<128x128xf32, #tpu.memory_space<vmem>>) dst(%dma_wait3A_275 : memref<128x128xf32, #tpu.memory_space<vmem_shared>>)
      tpu.yield
    }) : () -> ()
    %add3A_14 = arith.constant 256 : i32
    %add3A_15 = arith.addi %mul3A_8, %add3A_14 : i32
    %run_scoped3A_16 = arith.constant 0 : i32
    "tpu.region"() ({
      %run_scoped3A_255 = tpu.sem_alloc : memref<!tpu.dma_semaphore, #tpu.memory_space<semaphore_mem>>
      %dma_start3A_256 = arith.constant 0 : i32
      %dma_start3A_257 = arith.constant 0 : i32
      %dma_start3A_258 = tpu.memref_slice %arg7[%run_scoped3A_16, %dma_start3A_256, %dma_start3A_257] : memref<2x128x128xf32, #tpu.memory_space<vmem>> -> memref<1x128x128xf32, #tpu.memory_space<vmem>>
      %dma_start3A_259 = tpu.memref_squeeze %dma_start3A_258 : memref<1x128x128xf32, #tpu.memory_space<vmem>> -> memref<128x128xf32, #tpu.memory_space<vmem>>
      %dma_start3A_260 = arith.constant 0 : i32
      %dma_start3A_261 = tpu.memref_slice %arg8[%add3A_15, %dma_start3A_260] : memref<10240x128xf32, #tpu.memory_space<vmem_shared>> -> memref<128x128xf32, #tpu.memory_space<vmem_shared>>
      %dma_start3A_262 = arith.constant 0 : i32
      %dma_start3A_263 = tpu.memref_slice %arg8[%add3A_15, %dma_start3A_262] : memref<10240x128xf32, #tpu.memory_space<vmem_shared>> -> memref<128x128xf32, #tpu.memory_space<vmem_shared>>
      %dma_start3A_264 = arith.constant 0 : i32
      %dma_start3A_265 = arith.constant 0 : i32
      %dma_start3A_266 = tpu.memref_slice %arg7[%run_scoped3A_16, %dma_start3A_264, %dma_start3A_265] : memref<2x128x128xf32, #tpu.memory_space<vmem>> -> memref<1x128x128xf32, #tpu.memory_space<vmem>>
      %dma_start3A_267 = tpu.memref_squeeze %dma_start3A_266 : memref<1x128x128xf32, #tpu.memory_space<vmem>> -> memref<128x128xf32, #tpu.memory_space<vmem>>
      tpu.enqueue_dma source(%dma_start3A_267 : memref<128x128xf32, #tpu.memory_space<vmem>>) target(%dma_start3A_263 : memref<128x128xf32, #tpu.memory_space<vmem_shared>>) target_semaphore(%run_scoped3A_255 : memref<!tpu.dma_semaphore, #tpu.memory_space<semaphore_mem>>)
      %dma_wait3A_268 = arith.constant 0 : i32
      %dma_wait3A_269 = arith.constant 0 : i32
      %dma_wait3A_270 = tpu.memref_slice %arg7[%run_scoped3A_16, %dma_wait3A_268, %dma_wait3A_269] : memref<2x128x128xf32, #tpu.memory_space<vmem>> -> memref<1x128x128xf32, #tpu.memory_space<vmem>>
      %dma_wait3A_271 = tpu.memref_squeeze %dma_wait3A_270 : memref<1x128x128xf32, #tpu.memory_space<vmem>> -> memref<128x128xf32, #tpu.memory_space<vmem>>
      %dma_wait3A_272 = arith.constant 0 : i32
      %dma_wait3A_273 = tpu.memref_slice %arg8[%add3A_15, %dma_wait3A_272] : memref<10240x128xf32, #tpu.memory_space<vmem_shared>> -> memref<128x128xf32, #tpu.memory_space<vmem_shared>>
      %dma_wait3A_274 = arith.constant 0 : i32
      %dma_wait3A_275 = tpu.memref_slice %arg8[%add3A_15, %dma_wait3A_274] : memref<10240x128xf32, #tpu.memory_space<vmem_shared>> -> memref<128x128xf32, #tpu.memory_space<vmem_shared>>
      %dma_wait3A_276 = arith.constant 0 : i32
      %dma_wait3A_277 = arith.constant 0 : i32
      %dma_wait3A_278 = tpu.memref_slice %arg7[%run_scoped3A_16, %dma_wait3A_276, %dma_wait3A_277] : memref<2x128x128xf32, #tpu.memory_space<vmem>> -> memref<1x128x128xf32, #tpu.memory_space<vmem>>
      %dma_wait3A_279 = tpu.memref_squeeze %dma_wait3A_278 : memref<1x128x128xf32, #tpu.memory_space<vmem>> -> memref<128x128xf32, #tpu.memory_space<vmem>>
      tpu.wait_dma2 semaphore(%run_scoped3A_255 : memref<!tpu.dma_semaphore, #tpu.memory_space<semaphore_mem>>) src(%dma_wait3A_279 : memref<128x128xf32, #tpu.memory_space<vmem>>) dst(%dma_wait3A_275 : memref<128x128xf32, #tpu.memory_space<vmem_shared>>)
      tpu.yield
    }) : () -> ()
    %add3A_17 = arith.constant 384 : i32
    %add3A_18 = arith.addi %mul3A_8, %add3A_17 : i32
    %run_scoped3A_19 = arith.constant 0 : i32
    "tpu.region"() ({
      %run_scoped3A_255 = tpu.sem_alloc : memref<!tpu.dma_semaphore, #tpu.memory_space<semaphore_mem>>
      %dma_start3A_256 = arith.constant 0 : i32
      %dma_start3A_257 = arith.constant 0 : i32
      %dma_start3A_258 = tpu.memref_slice %arg7[%run_scoped3A_19, %dma_start3A_256, %dma_start3A_257] : memref<2x128x128xf32, #tpu.memory_space<vmem>> -> memref<1x128x128xf32, #tpu.memory_space<vmem>>
      %dma_start3A_259 = tpu.memref_squeeze %dma_start3A_258 : memref<1x128x128xf32, #tpu.memory_space<vmem>> -> memref<128x128xf32, #tpu.memory_space<vmem>>
      %dma_start3A_260 = arith.constant 0 : i32
      %dma_start3A_261 = tpu.memref_slice %arg8[%add3A_18, %dma_start3A_260] : memref<10240x128xf32, #tpu.memory_space<vmem_shared>> -> memref<128x128xf32, #tpu.memory_space<vmem_shared>>
      %dma_start3A_262 = arith.constant 0 : i32
      %dma_start3A_263 = tpu.memref_slice %arg8[%add3A_18, %dma_start3A_262] : memref<10240x128xf32, #tpu.memory_space<vmem_shared>> -> memref<128x128xf32, #tpu.memory_space<vmem_shared>>
      %dma_start3A_264 = arith.constant 0 : i32
      %dma_start3A_265 = arith.constant 0 : i32
      %dma_start3A_266 = tpu.memref_slice %arg7[%run_scoped3A_19, %dma_start3A_264, %dma_start3A_265] : memref<2x128x128xf32, #tpu.memory_space<vmem>> -> memref<1x128x128xf32, #tpu.memory_space<vmem>>
      %dma_start3A_267 = tpu.memref_squeeze %dma_start3A_266 : memref<1x128x128xf32, #tpu.memory_space<vmem>> -> memref<128x128xf32, #tpu.memory_space<vmem>>
      tpu.enqueue_dma source(%dma_start3A_267 : memref<128x128xf32, #tpu.memory_space<vmem>>) target(%dma_start3A_263 : memref<128x128xf32, #tpu.memory_space<vmem_shared>>) target_semaphore(%run_scoped3A_255 : memref<!tpu.dma_semaphore, #tpu.memory_space<semaphore_mem>>)
      %dma_wait3A_268 = arith.constant 0 : i32
      %dma_wait3A_269 = arith.constant 0 : i32
      %dma_wait3A_270 = tpu.memref_slice %arg7[%run_scoped3A_19, %dma_wait3A_268, %dma_wait3A_269] : memref<2x128x128xf32, #tpu.memory_space<vmem>> -> memref<1x128x128xf32, #tpu.memory_space<vmem>>
      %dma_wait3A_271 = tpu.memref_squeeze %dma_wait3A_270 : memref<1x128x128xf32, #tpu.memory_space<vmem>> -> memref<128x128xf32, #tpu.memory_space<vmem>>
      %dma_wait3A_272 = arith.constant 0 : i32
      %dma_wait3A_273 = tpu.memref_slice %arg8[%add3A_18, %dma_wait3A_272] : memref<10240x128xf32, #tpu.memory_space<vmem_shared>> -> memref<128x128xf32, #tpu.memory_space<vmem_shared>>
      %dma_wait3A_274 = arith.constant 0 : i32
      %dma_wait3A_275 = tpu.memref_slice %arg8[%add3A_18, %dma_wait3A_274] : memref<10240x128xf32, #tpu.memory_space<vmem_shared>> -> memref<128x128xf32, #tpu.memory_space<vmem_shared>>
      %dma_wait3A_276 = arith.constant 0 : i32
      %dma_wait3A_277 = arith.constant 0 : i32
      %dma_wait3A_278 = tpu.memref_slice %arg7[%run_scoped3A_19, %dma_wait3A_276, %dma_wait3A_277] : memref<2x128x128xf32, #tpu.memory_space<vmem>> -> memref<1x128x128xf32, #tpu.memory_space<vmem>>
      %dma_wait3A_279 = tpu.memref_squeeze %dma_wait3A_278 : memref<1x128x128xf32, #tpu.memory_space<vmem>> -> memref<128x128xf32, #tpu.memory_space<vmem>>
      tpu.wait_dma2 semaphore(%run_scoped3A_255 : memref<!tpu.dma_semaphore, #tpu.memory_space<semaphore_mem>>) src(%dma_wait3A_279 : memref<128x128xf32, #tpu.memory_space<vmem>>) dst(%dma_wait3A_275 : memref<128x128xf32, #tpu.memory_space<vmem_shared>>)
      tpu.yield
    }) : () -> ()
    %add3A_20 = arith.constant 512 : i32
    %add3A_21 = arith.addi %mul3A_8, %add3A_20 : i32
    %run_scoped3A_22 = arith.constant 0 : i32
    "tpu.region"() ({
      %run_scoped3A_255 = tpu.sem_alloc : memref<!tpu.dma_semaphore, #tpu.memory_space<semaphore_mem>>
      %dma_start3A_256 = arith.constant 0 : i32
      %dma_start3A_257 = arith.constant 0 : i32
      %dma_start3A_258 = tpu.memref_slice %arg7[%run_scoped3A_22, %dma_start3A_256, %dma_start3A_257] : memref<2x128x128xf32, #tpu.memory_space<vmem>> -> memref<1x128x128xf32, #tpu.memory_space<vmem>>
      %dma_start3A_259 = tpu.memref_squeeze %dma_start3A_258 : memref<1x128x128xf32, #tpu.memory_space<vmem>> -> memref<128x128xf32, #tpu.memory_space<vmem>>
      %dma_start3A_260 = arith.constant 0 : i32
      %dma_start3A_261 = tpu.memref_slice %arg8[%add3A_21, %dma_start3A_260] : memref<10240x128xf32, #tpu.memory_space<vmem_shared>> -> memref<128x128xf32, #tpu.memory_space<vmem_shared>>
      %dma_start3A_262 = arith.constant 0 : i32
      %dma_start3A_263 = tpu.memref_slice %arg8[%add3A_21, %dma_start3A_262] : memref<10240x128xf32, #tpu.memory_space<vmem_shared>> -> memref<128x128xf32, #tpu.memory_space<vmem_shared>>
      %dma_start3A_264 = arith.constant 0 : i32
      %dma_start3A_265 = arith.constant 0 : i32
      %dma_start3A_266 = tpu.memref_slice %arg7[%run_scoped3A_22, %dma_start3A_264, %dma_start3A_265] : memref<2x128x128xf32, #tpu.memory_space<vmem>> -> memref<1x128x128xf32, #tpu.memory_space<vmem>>
      %dma_start3A_267 = tpu.memref_squeeze %dma_start3A_266 : memref<1x128x128xf32, #tpu.memory_space<vmem>> -> memref<128x128xf32, #tpu.memory_space<vmem>>
      tpu.enqueue_dma source(%dma_start3A_267 : memref<128x128xf32, #tpu.memory_space<vmem>>) target(%dma_start3A_263 : memref<128x128xf32, #tpu.memory_space<vmem_shared>>) target_semaphore(%run_scoped3A_255 : memref<!tpu.dma_semaphore, #tpu.memory_space<semaphore_mem>>)
      %dma_wait3A_268 = arith.constant 0 : i32
      %dma_wait3A_269 = arith.constant 0 : i32
      %dma_wait3A_270 = tpu.memref_slice %arg7[%run_scoped3A_22, %dma_wait3A_268, %dma_wait3A_269] : memref<2x128x128xf32, #tpu.memory_space<vmem>> -> memref<1x128x128xf32, #tpu.memory_space<vmem>>
      %dma_wait3A_271 = tpu.memref_squeeze %dma_wait3A_270 : memref<1x128x128xf32, #tpu.memory_space<vmem>> -> memref<128x128xf32, #tpu.memory_space<vmem>>
      %dma_wait3A_272 = arith.constant 0 : i32
      %dma_wait3A_273 = tpu.memref_slice %arg8[%add3A_21, %dma_wait3A_272] : memref<10240x128xf32, #tpu.memory_space<vmem_shared>> -> memref<128x128xf32, #tpu.memory_space<vmem_shared>>
      %dma_wait3A_274 = arith.constant 0 : i32
      %dma_wait3A_275 = tpu.memref_slice %arg8[%add3A_21, %dma_wait3A_274] : memref<10240x128xf32, #tpu.memory_space<vmem_shared>> -> memref<128x128xf32, #tpu.memory_space<vmem_shared>>
      %dma_wait3A_276 = arith.constant 0 : i32
      %dma_wait3A_277 = arith.constant 0 : i32
      %dma_wait3A_278 = tpu.memref_slice %arg7[%run_scoped3A_22, %dma_wait3A_276, %dma_wait3A_277] : memref<2x128x128xf32, #tpu.memory_space<vmem>> -> memref<1x128x128xf32, #tpu.memory_space<vmem>>
      %dma_wait3A_279 = tpu.memref_squeeze %dma_wait3A_278 : memref<1x128x128xf32, #tpu.memory_space<vmem>> -> memref<128x128xf32, #tpu.memory_space<vmem>>
      tpu.wait_dma2 semaphore(%run_scoped3A_255 : memref<!tpu.dma_semaphore, #tpu.memory_space<semaphore_mem>>) src(%dma_wait3A_279 : memref<128x128xf32, #tpu.memory_space<vmem>>) dst(%dma_wait3A_275 : memref<128x128xf32, #tpu.memory_space<vmem_shared>>)
      tpu.yield
    }) : () -> ()
    %barrier3A = arith.constant 0 : index
    tpu.barrier barrier_id(%barrier3A)
    %mul3A_23 = arith.constant 2 : i32
    %mul3A_24 = arith.muli %mul3A_23, %add3A : i32
    %add3A_25 = arith.constant 0 : i32
    %add3A_26 = arith.addi %mul3A_24, %add3A_25 : i32
    %run_scoped3A_27 = arith.constant 0 : i32
    "tpu.region"() ({
      %run_scoped3A_255 = tpu.sem_alloc : memref<!tpu.dma_semaphore, #tpu.memory_space<semaphore_mem>>
      %dma_start3A_256 = arith.constant 0 : i32
      %dma_start3A_257 = arith.constant 0 : i32
      %dma_start3A_258 = tpu.memref_slice %arg3[%run_scoped3A_27, %add3A_26, %dma_start3A_256, %dma_start3A_257] : memref<2x64x40x128xi32, #tpu.memory_space<hbm>> -> memref<1x1x40x128xi32, #tpu.memory_space<hbm>>
      %dma_start3A_259 = tpu.memref_squeeze %dma_start3A_258 : memref<1x1x40x128xi32, #tpu.memory_space<hbm>> -> memref<40x128xi32, #tpu.memory_space<hbm>>
      %dma_start3A_260 = arith.constant 0 : i32
      %dma_start3A_261 = arith.constant 0 : i32
      %dma_start3A_262 = tpu.memref_slice %arg3[%run_scoped3A_27, %add3A_26, %dma_start3A_260, %dma_start3A_261] : memref<2x64x40x128xi32, #tpu.memory_space<hbm>> -> memref<1x1x40x128xi32, #tpu.memory_space<hbm>>
      %dma_start3A_263 = tpu.memref_squeeze %dma_start3A_262 : memref<1x1x40x128xi32, #tpu.memory_space<hbm>> -> memref<40x128xi32, #tpu.memory_space<hbm>>
      tpu.enqueue_dma source(%dma_start3A_263 : memref<40x128xi32, #tpu.memory_space<hbm>>) target(%arg5 : memref<40x128xi32, #tpu.memory_space<vmem>>) target_semaphore(%run_scoped3A_255 : memref<!tpu.dma_semaphore, #tpu.memory_space<semaphore_mem>>)
      %dma_wait3A_264 = arith.constant 0 : i32
      %dma_wait3A_265 = arith.constant 0 : i32
      %dma_wait3A_266 = tpu.memref_slice %arg3[%run_scoped3A_27, %add3A_26, %dma_wait3A_264, %dma_wait3A_265] : memref<2x64x40x128xi32, #tpu.memory_space<hbm>> -> memref<1x1x40x128xi32, #tpu.memory_space<hbm>>
      %dma_wait3A_267 = tpu.memref_squeeze %dma_wait3A_266 : memref<1x1x40x128xi32, #tpu.memory_space<hbm>> -> memref<40x128xi32, #tpu.memory_space<hbm>>
      %dma_wait3A_268 = arith.constant 0 : i32
      %dma_wait3A_269 = arith.constant 0 : i32
      %dma_wait3A_270 = tpu.memref_slice %arg3[%run_scoped3A_27, %add3A_26, %dma_wait3A_268, %dma_wait3A_269] : memref<2x64x40x128xi32, #tpu.memory_space<hbm>> -> memref<1x1x40x128xi32, #tpu.memory_space<hbm>>
      %dma_wait3A_271 = tpu.memref_squeeze %dma_wait3A_270 : memref<1x1x40x128xi32, #tpu.memory_space<hbm>> -> memref<40x128xi32, #tpu.memory_space<hbm>>
      tpu.wait_dma2 semaphore(%run_scoped3A_255 : memref<!tpu.dma_semaphore, #tpu.memory_space<semaphore_mem>>) src(%dma_wait3A_271 : memref<40x128xi32, #tpu.memory_space<hbm>>) dst(%arg5 : memref<40x128xi32, #tpu.memory_space<vmem>>)
      tpu.yield
    }) : () -> ()
    %mul3A_28 = arith.constant 2 : i32
    %mul3A_29 = arith.muli %mul3A_28, %add3A : i32
    %add3A_30 = arith.constant 0 : i32
    %add3A_31 = arith.addi %mul3A_29, %add3A_30 : i32
    %run_scoped3A_32 = arith.constant 1 : i32
    "tpu.region"() ({
      %run_scoped3A_255 = tpu.sem_alloc : memref<!tpu.dma_semaphore, #tpu.memory_space<semaphore_mem>>
      %dma_start3A_256 = arith.constant 0 : i32
      %dma_start3A_257 = arith.constant 0 : i32
      %dma_start3A_258 = tpu.memref_slice %arg3[%run_scoped3A_32, %add3A_31, %dma_start3A_256, %dma_start3A_257] : memref<2x64x40x128xi32, #tpu.memory_space<hbm>> -> memref<1x1x40x128xi32, #tpu.memory_space<hbm>>
      %dma_start3A_259 = tpu.memref_squeeze %dma_start3A_258 : memref<1x1x40x128xi32, #tpu.memory_space<hbm>> -> memref<40x128xi32, #tpu.memory_space<hbm>>
      %dma_start3A_260 = arith.constant 0 : i32
      %dma_start3A_261 = arith.constant 0 : i32
      %dma_start3A_262 = tpu.memref_slice %arg3[%run_scoped3A_32, %add3A_31, %dma_start3A_260, %dma_start3A_261] : memref<2x64x40x128xi32, #tpu.memory_space<hbm>> -> memref<1x1x40x128xi32, #tpu.memory_space<hbm>>
      %dma_start3A_263 = tpu.memref_squeeze %dma_start3A_262 : memref<1x1x40x128xi32, #tpu.memory_space<hbm>> -> memref<40x128xi32, #tpu.memory_space<hbm>>
      tpu.enqueue_dma source(%dma_start3A_263 : memref<40x128xi32, #tpu.memory_space<hbm>>) target(%arg6 : memref<40x128xi32, #tpu.memory_space<vmem>>) target_semaphore(%run_scoped3A_255 : memref<!tpu.dma_semaphore, #tpu.memory_space<semaphore_mem>>)
      %dma_wait3A_264 = arith.constant 0 : i32
      %dma_wait3A_265 = arith.constant 0 : i32
      %dma_wait3A_266 = tpu.memref_slice %arg3[%run_scoped3A_32, %add3A_31, %dma_wait3A_264, %dma_wait3A_265] : memref<2x64x40x128xi32, #tpu.memory_space<hbm>> -> memref<1x1x40x128xi32, #tpu.memory_space<hbm>>
      %dma_wait3A_267 = tpu.memref_squeeze %dma_wait3A_266 : memref<1x1x40x128xi32, #tpu.memory_space<hbm>> -> memref<40x128xi32, #tpu.memory_space<hbm>>
      %dma_wait3A_268 = arith.constant 0 : i32
      %dma_wait3A_269 = arith.constant 0 : i32
      %dma_wait3A_270 = tpu.memref_slice %arg3[%run_scoped3A_32, %add3A_31, %dma_wait3A_268, %dma_wait3A_269] : memref<2x64x40x128xi32, #tpu.memory_space<hbm>> -> memref<1x1x40x128xi32, #tpu.memory_space<hbm>>
      %dma_wait3A_271 = tpu.memref_squeeze %dma_wait3A_270 : memref<1x1x40x128xi32, #tpu.memory_space<hbm>> -> memref<40x128xi32, #tpu.memory_space<hbm>>
      tpu.wait_dma2 semaphore(%run_scoped3A_255 : memref<!tpu.dma_semaphore, #tpu.memory_space<semaphore_mem>>) src(%dma_wait3A_271 : memref<40x128xi32, #tpu.memory_space<hbm>>) dst(%arg6 : memref<40x128xi32, #tpu.memory_space<vmem>>)
      tpu.yield
    }) : () -> ()
    %dma_start3A = arith.constant 0 : i32
    %dma_start3A_33 = arith.constant 0 : i32
    %dma_start3A_34 = arith.constant 0 : i32
    %dma_start3A_35 = arith.constant 0 : i32
    %dma_start3A_36 = tpu.memref_slice %arg7[%dma_start3A_33, %dma_start3A_34, %dma_start3A_35] : memref<2x128x128xf32, #tpu.memory_space<vmem>> -> memref<1x128x128xf32, #tpu.memory_space<vmem>>
    %dma_start3A_37 = tpu.memref_squeeze %dma_start3A_36 : memref<1x128x128xf32, #tpu.memory_space<vmem>> -> memref<128x128xf32, #tpu.memory_space<vmem>>
    %dma_start3A_38 = arith.constant 0 : i32
    %dma_start3A_39 = tpu.memref_slice %arg6[%dma_start3A, %dma_start3A_38] : memref<40x128xi32, #tpu.memory_space<vmem>> -> memref<1x128xi32, #tpu.memory_space<vmem>>
    %dma_start3A_40 = tpu.memref_squeeze %dma_start3A_39 : memref<1x128xi32, #tpu.memory_space<vmem>> -> memref<128xi32, #tpu.memory_space<vmem>>
    %dma_start3A_41 = arith.constant 0 : i32
    %dma_start3A_42 = arith.constant 0 : i32
    %dma_start3A_43 = tpu.memref_slice %arg2[%dma_start3A_41, %dma_start3A_42] : memref<10240x128xf32, #tpu.memory_space<hbm>> -> memref<10240x128xf32, #tpu.memory_space<hbm>>
    tpu.enqueue_indirect_dma source(%dma_start3A_43 : memref<10240x128xf32, #tpu.memory_space<hbm>>) target(%dma_start3A_37 : memref<128x128xf32, #tpu.memory_space<vmem>>) offsets(%dma_start3A_40 : memref<128xi32, #tpu.memory_space<vmem>>) semaphore(%arg9 : memref<!tpu.dma_semaphore, #tpu.memory_space<semaphore_mem>>)
    %scan3A_44 = arith.constant 0 : i32
    %scan3A_45 = arith.constant 0 : i32
    %scan3A_46 = arith.constant 40 : i32
    %scan3A_47 = arith.addi %scan3A_45, %scan3A_46 : i32
    %scan3A_48 = arith.constant 1 : i32
    %scan3A_49 = scf.for %scan3A_255 = %scan3A_45 to %scan3A_47 step %scan3A_48 iter_args(%scan3A_256 = %scan3A_44) -> (i32)  : i32 {
      %jit3A = arith.constant 2 : i32
      %eq3A = arith.constant 0 : i32
      %eq3A_257 = arith.cmpi eq, %jit3A, %eq3A : i32
      %jit3A_258 = arith.constant 1 : i32
      %select_n3A = arith.select %eq3A_257, %jit3A_258, %jit3A : i32
      %rem3A = arith.remsi %scan3A_255, %select_n3A : i32
      %ne3A = arith.constant 0 : i32
      %ne3A_259 = arith.cmpi ne, %rem3A, %ne3A : i32
      %lt3A = arith.constant 0 : i32
      %lt3A_260 = arith.cmpi slt, %rem3A, %lt3A : i32
      %lt3A_261 = arith.constant 0 : i32
      %lt3A_262 = arith.cmpi slt, %select_n3A, %lt3A_261 : i32
      %ne3A_263 = arith.xori %lt3A_260, %lt3A_262 : i1
      %and3A = arith.andi %ne3A_263, %ne3A_259 : i1
      %add3A_264 = arith.addi %rem3A, %select_n3A : i32
      %select_n3A_265 = arith.select %and3A, %add3A_264, %rem3A : i32
      %add3A_266 = arith.constant 1 : i32
      %add3A_267 = arith.addi %scan3A_255, %add3A_266 : i32
      %lt3A_268 = arith.constant 40 : i32
      %lt3A_269 = arith.cmpi slt, %add3A_267, %lt3A_268 : i32
      %convert_element_type3A = arith.extui %lt3A_269 : i1 to i32
      %cond3A = arith.constant 0 : i32
      %cond3A_270 = arith.cmpi ne, %convert_element_type3A, %cond3A : i32
      scf.if %cond3A_270 {
        %add3A_282 = arith.constant 1 : i32
        %add3A_283 = arith.addi %scan3A_255, %add3A_282 : i32
        %sub3A = arith.constant 1 : i32
        %sub3A_284 = arith.subi %sub3A, %select_n3A_265 : i32
        %dma_start3A_285 = arith.constant 0 : i32
        %dma_start3A_286 = arith.constant 0 : i32
        %dma_start3A_287 = tpu.memref_slice %arg7[%sub3A_284, %dma_start3A_285, %dma_start3A_286] : memref<2x128x128xf32, #tpu.memory_space<vmem>> -> memref<1x128x128xf32, #tpu.memory_space<vmem>>
        %dma_start3A_288 = tpu.memref_squeeze %dma_start3A_287 : memref<1x128x128xf32, #tpu.memory_space<vmem>> -> memref<128x128xf32, #tpu.memory_space<vmem>>
        %dma_start3A_289 = arith.constant 0 : i32
        %dma_start3A_290 = tpu.memref_slice %arg6[%add3A_283, %dma_start3A_289] : memref<40x128xi32, #tpu.memory_space<vmem>> -> memref<1x128xi32, #tpu.memory_space<vmem>>
        %dma_start3A_291 = tpu.memref_squeeze %dma_start3A_290 : memref<1x128xi32, #tpu.memory_space<vmem>> -> memref<128xi32, #tpu.memory_space<vmem>>
        %dma_start3A_292 = arith.constant 0 : i32
        %dma_start3A_293 = arith.constant 0 : i32
        %dma_start3A_294 = tpu.memref_slice %arg2[%dma_start3A_292, %dma_start3A_293] : memref<10240x128xf32, #tpu.memory_space<hbm>> -> memref<10240x128xf32, #tpu.memory_space<hbm>>
        tpu.enqueue_indirect_dma source(%dma_start3A_294 : memref<10240x128xf32, #tpu.memory_space<hbm>>) target(%dma_start3A_288 : memref<128x128xf32, #tpu.memory_space<vmem>>) offsets(%dma_start3A_291 : memref<128xi32, #tpu.memory_space<vmem>>) semaphore(%arg9 : memref<!tpu.dma_semaphore, #tpu.memory_space<semaphore_mem>>)
      } else {
      }
      %dma_wait3A_271 = arith.constant 0 : i32
      %dma_wait3A_272 = arith.constant 0 : i32
      %dma_wait3A_273 = tpu.memref_slice %arg7[%select_n3A_265, %dma_wait3A_271, %dma_wait3A_272] : memref<2x128x128xf32, #tpu.memory_space<vmem>> -> memref<1x128x128xf32, #tpu.memory_space<vmem>>
      %dma_wait3A_274 = tpu.memref_squeeze %dma_wait3A_273 : memref<1x128x128xf32, #tpu.memory_space<vmem>> -> memref<128x128xf32, #tpu.memory_space<vmem>>
      %dma_wait3A_275 = arith.constant 0 : i32
      %dma_wait3A_276 = tpu.memref_slice %arg6[%scan3A_255, %dma_wait3A_275] : memref<40x128xi32, #tpu.memory_space<vmem>> -> memref<1x128xi32, #tpu.memory_space<vmem>>
      %dma_wait3A_277 = tpu.memref_squeeze %dma_wait3A_276 : memref<1x128xi32, #tpu.memory_space<vmem>> -> memref<128xi32, #tpu.memory_space<vmem>>
      %dma_wait3A_278 = arith.constant 0 : i32
      %dma_wait3A_279 = arith.constant 0 : i32
      %dma_wait3A_280 = tpu.memref_slice %arg2[%dma_wait3A_278, %dma_wait3A_279] : memref<10240x128xf32, #tpu.memory_space<hbm>> -> memref<10240x128xf32, #tpu.memory_space<hbm>>
      tpu.wait_indirect_dma semaphore(%arg9 : memref<!tpu.dma_semaphore, #tpu.memory_space<semaphore_mem>>) src(%dma_wait3A_280 : memref<10240x128xf32, #tpu.memory_space<hbm>>) dst(%dma_wait3A_274 : memref<128x128xf32, #tpu.memory_space<vmem>>)
      "tpu.region"() ({
        %run_scoped3A_282 = tpu.sem_alloc : memref<!tpu.dma_semaphore, #tpu.memory_space<semaphore_mem>>
        %dma_start3A_283 = arith.constant 0 : i32
        %dma_start3A_284 = arith.constant 0 : i32
        %dma_start3A_285 = tpu.memref_slice %arg7[%select_n3A_265, %dma_start3A_283, %dma_start3A_284] : memref<2x128x128xf32, #tpu.memory_space<vmem>> -> memref<1x128x128xf32, #tpu.memory_space<vmem>>
        %dma_start3A_286 = tpu.memref_squeeze %dma_start3A_285 : memref<1x128x128xf32, #tpu.memory_space<vmem>> -> memref<128x128xf32, #tpu.memory_space<vmem>>
        %dma_start3A_287 = arith.constant 0 : i32
        %dma_start3A_288 = tpu.memref_slice %arg5[%scan3A_255, %dma_start3A_287] : memref<40x128xi32, #tpu.memory_space<vmem>> -> memref<1x128xi32, #tpu.memory_space<vmem>>
        %dma_start3A_289 = tpu.memref_squeeze %dma_start3A_288 : memref<1x128xi32, #tpu.memory_space<vmem>> -> memref<128xi32, #tpu.memory_space<vmem>>
        %dma_start3A_290 = arith.constant 0 : i32
        %dma_start3A_291 = arith.constant 0 : i32
        %dma_start3A_292 = tpu.memref_slice %arg8[%dma_start3A_290, %dma_start3A_291] : memref<10240x128xf32, #tpu.memory_space<vmem_shared>> -> memref<10240x128xf32, #tpu.memory_space<vmem_shared>>
        tpu.enqueue_indirect_dma source(%dma_start3A_286 : memref<128x128xf32, #tpu.memory_space<vmem>>) target(%dma_start3A_292 : memref<10240x128xf32, #tpu.memory_space<vmem_shared>>) offsets(%dma_start3A_289 : memref<128xi32, #tpu.memory_space<vmem>>) semaphore(%run_scoped3A_282 : memref<!tpu.dma_semaphore, #tpu.memory_space<semaphore_mem>>) {add = true}
        %dma_wait3A_293 = arith.constant 0 : i32
        %dma_wait3A_294 = arith.constant 0 : i32
        %dma_wait3A_295 = tpu.memref_slice %arg7[%select_n3A_265, %dma_wait3A_293, %dma_wait3A_294] : memref<2x128x128xf32, #tpu.memory_space<vmem>> -> memref<1x128x128xf32, #tpu.memory_space<vmem>>
        %dma_wait3A_296 = tpu.memref_squeeze %dma_wait3A_295 : memref<1x128x128xf32, #tpu.memory_space<vmem>> -> memref<128x128xf32, #tpu.memory_space<vmem>>
        %dma_wait3A_297 = arith.constant 0 : i32
        %dma_wait3A_298 = tpu.memref_slice %arg5[%scan3A_255, %dma_wait3A_297] : memref<40x128xi32, #tpu.memory_space<vmem>> -> memref<1x128xi32, #tpu.memory_space<vmem>>
        %dma_wait3A_299 = tpu.memref_squeeze %dma_wait3A_298 : memref<1x128xi32, #tpu.memory_space<vmem>> -> memref<128xi32, #tpu.memory_space<vmem>>
        %dma_wait3A_300 = arith.constant 0 : i32
        %dma_wait3A_301 = arith.constant 0 : i32
        %dma_wait3A_302 = tpu.memref_slice %arg8[%dma_wait3A_300, %dma_wait3A_301] : memref<10240x128xf32, #tpu.memory_space<vmem_shared>> -> memref<10240x128xf32, #tpu.memory_space<vmem_shared>>
        tpu.wait_indirect_dma semaphore(%run_scoped3A_282 : memref<!tpu.dma_semaphore, #tpu.memory_space<semaphore_mem>>) src(%dma_wait3A_296 : memref<128x128xf32, #tpu.memory_space<vmem>>) dst(%dma_wait3A_302 : memref<10240x128xf32, #tpu.memory_space<vmem_shared>>)
        tpu.yield
      }) : () -> ()
      %scan3A_281 = arith.constant 0 : i32
      scf.yield %scan3A_281 : i32
    }
    %scan3A_50 = arith.constant 40 : i32
    %mul3A_51 = arith.constant 2 : i32
    %mul3A_52 = arith.muli %mul3A_51, %add3A : i32
    %add3A_53 = arith.constant 1 : i32
    %add3A_54 = arith.addi %mul3A_52, %add3A_53 : i32
    %run_scoped3A_55 = arith.constant 0 : i32
    "tpu.region"() ({
      %run_scoped3A_255 = tpu.sem_alloc : memref<!tpu.dma_semaphore, #tpu.memory_space<semaphore_mem>>
      %dma_start3A_256 = arith.constant 0 : i32
      %dma_start3A_257 = arith.constant 0 : i32
      %dma_start3A_258 = tpu.memref_slice %arg3[%run_scoped3A_55, %add3A_54, %dma_start3A_256, %dma_start3A_257] : memref<2x64x40x128xi32, #tpu.memory_space<hbm>> -> memref<1x1x40x128xi32, #tpu.memory_space<hbm>>
      %dma_start3A_259 = tpu.memref_squeeze %dma_start3A_258 : memref<1x1x40x128xi32, #tpu.memory_space<hbm>> -> memref<40x128xi32, #tpu.memory_space<hbm>>
      %dma_start3A_260 = arith.constant 0 : i32
      %dma_start3A_261 = arith.constant 0 : i32
      %dma_start3A_262 = tpu.memref_slice %arg3[%run_scoped3A_55, %add3A_54, %dma_start3A_260, %dma_start3A_261] : memref<2x64x40x128xi32, #tpu.memory_space<hbm>> -> memref<1x1x40x128xi32, #tpu.memory_space<hbm>>
      %dma_start3A_263 = tpu.memref_squeeze %dma_start3A_262 : memref<1x1x40x128xi32, #tpu.memory_space<hbm>> -> memref<40x128xi32, #tpu.memory_space<hbm>>
      tpu.enqueue_dma source(%dma_start3A_263 : memref<40x128xi32, #tpu.memory_space<hbm>>) target(%arg5 : memref<40x128xi32, #tpu.memory_space<vmem>>) target_semaphore(%run_scoped3A_255 : memref<!tpu.dma_semaphore, #tpu.memory_space<semaphore_mem>>)
      %dma_wait3A_264 = arith.constant 0 : i32
      %dma_wait3A_265 = arith.constant 0 : i32
      %dma_wait3A_266 = tpu.memref_slice %arg3[%run_scoped3A_55, %add3A_54, %dma_wait3A_264, %dma_wait3A_265] : memref<2x64x40x128xi32, #tpu.memory_space<hbm>> -> memref<1x1x40x128xi32, #tpu.memory_space<hbm>>
      %dma_wait3A_267 = tpu.memref_squeeze %dma_wait3A_266 : memref<1x1x40x128xi32, #tpu.memory_space<hbm>> -> memref<40x128xi32, #tpu.memory_space<hbm>>
      %dma_wait3A_268 = arith.constant 0 : i32
      %dma_wait3A_269 = arith.constant 0 : i32
      %dma_wait3A_270 = tpu.memref_slice %arg3[%run_scoped3A_55, %add3A_54, %dma_wait3A_268, %dma_wait3A_269] : memref<2x64x40x128xi32, #tpu.memory_space<hbm>> -> memref<1x1x40x128xi32, #tpu.memory_space<hbm>>
      %dma_wait3A_271 = tpu.memref_squeeze %dma_wait3A_270 : memref<1x1x40x128xi32, #tpu.memory_space<hbm>> -> memref<40x128xi32, #tpu.memory_space<hbm>>
      tpu.wait_dma2 semaphore(%run_scoped3A_255 : memref<!tpu.dma_semaphore, #tpu.memory_space<semaphore_mem>>) src(%dma_wait3A_271 : memref<40x128xi32, #tpu.memory_space<hbm>>) dst(%arg5 : memref<40x128xi32, #tpu.memory_space<vmem>>)
      tpu.yield
    }) : () -> ()
    %mul3A_56 = arith.constant 2 : i32
    %mul3A_57 = arith.muli %mul3A_56, %add3A : i32
    %add3A_58 = arith.constant 1 : i32
    %add3A_59 = arith.addi %mul3A_57, %add3A_58 : i32
    %run_scoped3A_60 = arith.constant 1 : i32
    "tpu.region"() ({
      %run_scoped3A_255 = tpu.sem_alloc : memref<!tpu.dma_semaphore, #tpu.memory_space<semaphore_mem>>
      %dma_start3A_256 = arith.constant 0 : i32
      %dma_start3A_257 = arith.constant 0 : i32
      %dma_start3A_258 = tpu.memref_slice %arg3[%run_scoped3A_60, %add3A_59, %dma_start3A_256, %dma_start3A_257] : memref<2x64x40x128xi32, #tpu.memory_space<hbm>> -> memref<1x1x40x128xi32, #tpu.memory_space<hbm>>
      %dma_start3A_259 = tpu.memref_squeeze %dma_start3A_258 : memref<1x1x40x128xi32, #tpu.memory_space<hbm>> -> memref<40x128xi32, #tpu.memory_space<hbm>>
      %dma_start3A_260 = arith.constant 0 : i32
      %dma_start3A_261 = arith.constant 0 : i32
      %dma_start3A_262 = tpu.memref_slice %arg3[%run_scoped3A_60, %add3A_59, %dma_start3A_260, %dma_start3A_261] : memref<2x64x40x128xi32, #tpu.memory_space<hbm>> -> memref<1x1x40x128xi32, #tpu.memory_space<hbm>>
      %dma_start3A_263 = tpu.memref_squeeze %dma_start3A_262 : memref<1x1x40x128xi32, #tpu.memory_space<hbm>> -> memref<40x128xi32, #tpu.memory_space<hbm>>
      tpu.enqueue_dma source(%dma_start3A_263 : memref<40x128xi32, #tpu.memory_space<hbm>>) target(%arg6 : memref<40x128xi32, #tpu.memory_space<vmem>>) target_semaphore(%run_scoped3A_255 : memref<!tpu.dma_semaphore, #tpu.memory_space<semaphore_mem>>)
      %dma_wait3A_264 = arith.constant 0 : i32
      %dma_wait3A_265 = arith.constant 0 : i32
      %dma_wait3A_266 = tpu.memref_slice %arg3[%run_scoped3A_60, %add3A_59, %dma_wait3A_264, %dma_wait3A_265] : memref<2x64x40x128xi32, #tpu.memory_space<hbm>> -> memref<1x1x40x128xi32, #tpu.memory_space<hbm>>
      %dma_wait3A_267 = tpu.memref_squeeze %dma_wait3A_266 : memref<1x1x40x128xi32, #tpu.memory_space<hbm>> -> memref<40x128xi32, #tpu.memory_space<hbm>>
      %dma_wait3A_268 = arith.constant 0 : i32
      %dma_wait3A_269 = arith.constant 0 : i32
      %dma_wait3A_270 = tpu.memref_slice %arg3[%run_scoped3A_60, %add3A_59, %dma_wait3A_268, %dma_wait3A_269] : memref<2x64x40x128xi32, #tpu.memory_space<hbm>> -> memref<1x1x40x128xi32, #tpu.memory_space<hbm>>
      %dma_wait3A_271 = tpu.memref_squeeze %dma_wait3A_270 : memref<1x1x40x128xi32, #tpu.memory_space<hbm>> -> memref<40x128xi32, #tpu.memory_space<hbm>>
      tpu.wait_dma2 semaphore(%run_scoped3A_255 : memref<!tpu.dma_semaphore, #tpu.memory_space<semaphore_mem>>) src(%dma_wait3A_271 : memref<40x128xi32, #tpu.memory_space<hbm>>) dst(%arg6 : memref<40x128xi32, #tpu.memory_space<vmem>>)
      tpu.yield
    }) : () -> ()
    %dma_start3A_61 = arith.constant 0 : i32
    %dma_start3A_62 = arith.constant 0 : i32
    %dma_start3A_63 = arith.constant 0 : i32
    %dma_start3A_64 = arith.constant 0 : i32
    %dma_start3A_65 = tpu.memref_slice %arg7[%dma_start3A_62, %dma_start3A_63, %dma_start3A_64] : memref<2x128x128xf32, #tpu.memory_space<vmem>> -> memref<1x128x128xf32, #tpu.memory_space<vmem>>
    %dma_start3A_66 = tpu.memref_squeeze %dma_start3A_65 : memref<1x128x128xf32, #tpu.memory_space<vmem>> -> memref<128x128xf32, #tpu.memory_space<vmem>>
    %dma_start3A_67 = arith.constant 0 : i32
    %dma_start3A_68 = tpu.memref_slice %arg6[%dma_start3A_61, %dma_start3A_67] : memref<40x128xi32, #tpu.memory_space<vmem>> -> memref<1x128xi32, #tpu.memory_space<vmem>>
    %dma_start3A_69 = tpu.memref_squeeze %dma_start3A_68 : memref<1x128xi32, #tpu.memory_space<vmem>> -> memref<128xi32, #tpu.memory_space<vmem>>
    %dma_start3A_70 = arith.constant 0 : i32
    %dma_start3A_71 = arith.constant 0 : i32
    %dma_start3A_72 = tpu.memref_slice %arg2[%dma_start3A_70, %dma_start3A_71] : memref<10240x128xf32, #tpu.memory_space<hbm>> -> memref<10240x128xf32, #tpu.memory_space<hbm>>
    tpu.enqueue_indirect_dma source(%dma_start3A_72 : memref<10240x128xf32, #tpu.memory_space<hbm>>) target(%dma_start3A_66 : memref<128x128xf32, #tpu.memory_space<vmem>>) offsets(%dma_start3A_69 : memref<128xi32, #tpu.memory_space<vmem>>) semaphore(%arg9 : memref<!tpu.dma_semaphore, #tpu.memory_space<semaphore_mem>>)
    %scan3A_73 = arith.constant 0 : i32
    %scan3A_74 = arith.constant 0 : i32
    %scan3A_75 = arith.constant 40 : i32
    %scan3A_76 = arith.addi %scan3A_74, %scan3A_75 : i32
    %scan3A_77 = arith.constant 1 : i32
    %scan3A_78 = scf.for %scan3A_255 = %scan3A_74 to %scan3A_76 step %scan3A_77 iter_args(%scan3A_256 = %scan3A_73) -> (i32)  : i32 {
      %jit3A = arith.constant 2 : i32
      %eq3A = arith.constant 0 : i32
      %eq3A_257 = arith.cmpi eq, %jit3A, %eq3A : i32
      %jit3A_258 = arith.constant 1 : i32
      %select_n3A = arith.select %eq3A_257, %jit3A_258, %jit3A : i32
      %rem3A = arith.remsi %scan3A_255, %select_n3A : i32
      %ne3A = arith.constant 0 : i32
      %ne3A_259 = arith.cmpi ne, %rem3A, %ne3A : i32
      %lt3A = arith.constant 0 : i32
      %lt3A_260 = arith.cmpi slt, %rem3A, %lt3A : i32
      %lt3A_261 = arith.constant 0 : i32
      %lt3A_262 = arith.cmpi slt, %select_n3A, %lt3A_261 : i32
      %ne3A_263 = arith.xori %lt3A_260, %lt3A_262 : i1
      %and3A = arith.andi %ne3A_263, %ne3A_259 : i1
      %add3A_264 = arith.addi %rem3A, %select_n3A : i32
      %select_n3A_265 = arith.select %and3A, %add3A_264, %rem3A : i32
      %add3A_266 = arith.constant 1 : i32
      %add3A_267 = arith.addi %scan3A_255, %add3A_266 : i32
      %lt3A_268 = arith.constant 40 : i32
      %lt3A_269 = arith.cmpi slt, %add3A_267, %lt3A_268 : i32
      %convert_element_type3A = arith.extui %lt3A_269 : i1 to i32
      %cond3A = arith.constant 0 : i32
      %cond3A_270 = arith.cmpi ne, %convert_element_type3A, %cond3A : i32
      scf.if %cond3A_270 {
        %add3A_282 = arith.constant 1 : i32
        %add3A_283 = arith.addi %scan3A_255, %add3A_282 : i32
        %sub3A = arith.constant 1 : i32
        %sub3A_284 = arith.subi %sub3A, %select_n3A_265 : i32
        %dma_start3A_285 = arith.constant 0 : i32
        %dma_start3A_286 = arith.constant 0 : i32
        %dma_start3A_287 = tpu.memref_slice %arg7[%sub3A_284, %dma_start3A_285, %dma_start3A_286] : memref<2x128x128xf32, #tpu.memory_space<vmem>> -> memref<1x128x128xf32, #tpu.memory_space<vmem>>
        %dma_start3A_288 = tpu.memref_squeeze %dma_start3A_287 : memref<1x128x128xf32, #tpu.memory_space<vmem>> -> memref<128x128xf32, #tpu.memory_space<vmem>>
        %dma_start3A_289 = arith.constant 0 : i32
        %dma_start3A_290 = tpu.memref_slice %arg6[%add3A_283, %dma_start3A_289] : memref<40x128xi32, #tpu.memory_space<vmem>> -> memref<1x128xi32, #tpu.memory_space<vmem>>
        %dma_start3A_291 = tpu.memref_squeeze %dma_start3A_290 : memref<1x128xi32, #tpu.memory_space<vmem>> -> memref<128xi32, #tpu.memory_space<vmem>>
        %dma_start3A_292 = arith.constant 0 : i32
        %dma_start3A_293 = arith.constant 0 : i32
        %dma_start3A_294 = tpu.memref_slice %arg2[%dma_start3A_292, %dma_start3A_293] : memref<10240x128xf32, #tpu.memory_space<hbm>> -> memref<10240x128xf32, #tpu.memory_space<hbm>>
        tpu.enqueue_indirect_dma source(%dma_start3A_294 : memref<10240x128xf32, #tpu.memory_space<hbm>>) target(%dma_start3A_288 : memref<128x128xf32, #tpu.memory_space<vmem>>) offsets(%dma_start3A_291 : memref<128xi32, #tpu.memory_space<vmem>>) semaphore(%arg9 : memref<!tpu.dma_semaphore, #tpu.memory_space<semaphore_mem>>)
      } else {
      }
      %dma_wait3A_271 = arith.constant 0 : i32
      %dma_wait3A_272 = arith.constant 0 : i32
      %dma_wait3A_273 = tpu.memref_slice %arg7[%select_n3A_265, %dma_wait3A_271, %dma_wait3A_272] : memref<2x128x128xf32, #tpu.memory_space<vmem>> -> memref<1x128x128xf32, #tpu.memory_space<vmem>>
      %dma_wait3A_274 = tpu.memref_squeeze %dma_wait3A_273 : memref<1x128x128xf32, #tpu.memory_space<vmem>> -> memref<128x128xf32, #tpu.memory_space<vmem>>
      %dma_wait3A_275 = arith.constant 0 : i32
      %dma_wait3A_276 = tpu.memref_slice %arg6[%scan3A_255, %dma_wait3A_275] : memref<40x128xi32, #tpu.memory_space<vmem>> -> memref<1x128xi32, #tpu.memory_space<vmem>>
      %dma_wait3A_277 = tpu.memref_squeeze %dma_wait3A_276 : memref<1x128xi32, #tpu.memory_space<vmem>> -> memref<128xi32, #tpu.memory_space<vmem>>
      %dma_wait3A_278 = arith.constant 0 : i32
      %dma_wait3A_279 = arith.constant 0 : i32
      %dma_wait3A_280 = tpu.memref_slice %arg2[%dma_wait3A_278, %dma_wait3A_279] : memref<10240x128xf32, #tpu.memory_space<hbm>> -> memref<10240x128xf32, #tpu.memory_space<hbm>>
      tpu.wait_indirect_dma semaphore(%arg9 : memref<!tpu.dma_semaphore, #tpu.memory_space<semaphore_mem>>) src(%dma_wait3A_280 : memref<10240x128xf32, #tpu.memory_space<hbm>>) dst(%dma_wait3A_274 : memref<128x128xf32, #tpu.memory_space<vmem>>)
      "tpu.region"() ({
        %run_scoped3A_282 = tpu.sem_alloc : memref<!tpu.dma_semaphore, #tpu.memory_space<semaphore_mem>>
        %dma_start3A_283 = arith.constant 0 : i32
        %dma_start3A_284 = arith.constant 0 : i32
        %dma_start3A_285 = tpu.memref_slice %arg7[%select_n3A_265, %dma_start3A_283, %dma_start3A_284] : memref<2x128x128xf32, #tpu.memory_space<vmem>> -> memref<1x128x128xf32, #tpu.memory_space<vmem>>
        %dma_start3A_286 = tpu.memref_squeeze %dma_start3A_285 : memref<1x128x128xf32, #tpu.memory_space<vmem>> -> memref<128x128xf32, #tpu.memory_space<vmem>>
        %dma_start3A_287 = arith.constant 0 : i32
        %dma_start3A_288 = tpu.memref_slice %arg5[%scan3A_255, %dma_start3A_287] : memref<40x128xi32, #tpu.memory_space<vmem>> -> memref<1x128xi32, #tpu.memory_space<vmem>>
        %dma_start3A_289 = tpu.memref_squeeze %dma_start3A_288 : memref<1x128xi32, #tpu.memory_space<vmem>> -> memref<128xi32, #tpu.memory_space<vmem>>
        %dma_start3A_290 = arith.constant 0 : i32
        %dma_start3A_291 = arith.constant 0 : i32
        %dma_start3A_292 = tpu.memref_slice %arg8[%dma_start3A_290, %dma_start3A_291] : memref<10240x128xf32, #tpu.memory_space<vmem_shared>> -> memref<10240x128xf32, #tpu.memory_space<vmem_shared>>
        tpu.enqueue_indirect_dma source(%dma_start3A_286 : memref<128x128xf32, #tpu.memory_space<vmem>>) target(%dma_start3A_292 : memref<10240x128xf32, #tpu.memory_space<vmem_shared>>) offsets(%dma_start3A_289 : memref<128xi32, #tpu.memory_space<vmem>>) semaphore(%run_scoped3A_282 : memref<!tpu.dma_semaphore, #tpu.memory_space<semaphore_mem>>) {add = true}
        %dma_wait3A_293 = arith.constant 0 : i32
        %dma_wait3A_294 = arith.constant 0 : i32
        %dma_wait3A_295 = tpu.memref_slice %arg7[%select_n3A_265, %dma_wait3A_293, %dma_wait3A_294] : memref<2x128x128xf32, #tpu.memory_space<vmem>> -> memref<1x128x128xf32, #tpu.memory_space<vmem>>
        %dma_wait3A_296 = tpu.memref_squeeze %dma_wait3A_295 : memref<1x128x128xf32, #tpu.memory_space<vmem>> -> memref<128x128xf32, #tpu.memory_space<vmem>>
        %dma_wait3A_297 = arith.constant 0 : i32
        %dma_wait3A_298 = tpu.memref_slice %arg5[%scan3A_255, %dma_wait3A_297] : memref<40x128xi32, #tpu.memory_space<vmem>> -> memref<1x128xi32, #tpu.memory_space<vmem>>
        %dma_wait3A_299 = tpu.memref_squeeze %dma_wait3A_298 : memref<1x128xi32, #tpu.memory_space<vmem>> -> memref<128xi32, #tpu.memory_space<vmem>>
        %dma_wait3A_300 = arith.constant 0 : i32
        %dma_wait3A_301 = arith.constant 0 : i32
        %dma_wait3A_302 = tpu.memref_slice %arg8[%dma_wait3A_300, %dma_wait3A_301] : memref<10240x128xf32, #tpu.memory_space<vmem_shared>> -> memref<10240x128xf32, #tpu.memory_space<vmem_shared>>
        tpu.wait_indirect_dma semaphore(%run_scoped3A_282 : memref<!tpu.dma_semaphore, #tpu.memory_space<semaphore_mem>>) src(%dma_wait3A_296 : memref<128x128xf32, #tpu.memory_space<vmem>>) dst(%dma_wait3A_302 : memref<10240x128xf32, #tpu.memory_space<vmem_shared>>)
        tpu.yield
      }) : () -> ()
      %scan3A_281 = arith.constant 0 : i32
      scf.yield %scan3A_281 : i32
    }
    %scan3A_79 = arith.constant 40 : i32
    %barrier3A_80 = arith.constant 0 : index
    tpu.barrier barrier_id(%barrier3A_80)
    %add3A_81 = arith.constant 0 : i32
    %add3A_82 = arith.addi %mul3A_8, %add3A_81 : i32
    %run_scoped3A_83 = arith.constant 0 : i32
    "tpu.region"() ({
      %run_scoped3A_255 = tpu.sem_alloc : memref<!tpu.dma_semaphore, #tpu.memory_space<semaphore_mem>>
      %dma_start3A_256 = arith.constant 0 : i32
      %dma_start3A_257 = arith.constant 0 : i32
      %dma_start3A_258 = tpu.memref_slice %arg7[%run_scoped3A_83, %dma_start3A_256, %dma_start3A_257] : memref<2x128x128xf32, #tpu.memory_space<vmem>> -> memref<1x128x128xf32, #tpu.memory_space<vmem>>
      %dma_start3A_259 = tpu.memref_squeeze %dma_start3A_258 : memref<1x128x128xf32, #tpu.memory_space<vmem>> -> memref<128x128xf32, #tpu.memory_space<vmem>>
      %dma_start3A_260 = arith.constant 0 : i32
      %dma_start3A_261 = tpu.memref_slice %arg8[%add3A_82, %dma_start3A_260] : memref<10240x128xf32, #tpu.memory_space<vmem_shared>> -> memref<128x128xf32, #tpu.memory_space<vmem_shared>>
      %dma_start3A_262 = arith.constant 0 : i32
      %dma_start3A_263 = arith.constant 0 : i32
      %dma_start3A_264 = tpu.memref_slice %arg7[%run_scoped3A_83, %dma_start3A_262, %dma_start3A_263] : memref<2x128x128xf32, #tpu.memory_space<vmem>> -> memref<1x128x128xf32, #tpu.memory_space<vmem>>
      %dma_start3A_265 = tpu.memref_squeeze %dma_start3A_264 : memref<1x128x128xf32, #tpu.memory_space<vmem>> -> memref<128x128xf32, #tpu.memory_space<vmem>>
      %dma_start3A_266 = arith.constant 0 : i32
      %dma_start3A_267 = tpu.memref_slice %arg8[%add3A_82, %dma_start3A_266] : memref<10240x128xf32, #tpu.memory_space<vmem_shared>> -> memref<128x128xf32, #tpu.memory_space<vmem_shared>>
      tpu.enqueue_dma source(%dma_start3A_267 : memref<128x128xf32, #tpu.memory_space<vmem_shared>>) target(%dma_start3A_265 : memref<128x128xf32, #tpu.memory_space<vmem>>) target_semaphore(%run_scoped3A_255 : memref<!tpu.dma_semaphore, #tpu.memory_space<semaphore_mem>>)
      %dma_wait3A_268 = arith.constant 0 : i32
      %dma_wait3A_269 = arith.constant 0 : i32
      %dma_wait3A_270 = tpu.memref_slice %arg7[%run_scoped3A_83, %dma_wait3A_268, %dma_wait3A_269] : memref<2x128x128xf32, #tpu.memory_space<vmem>> -> memref<1x128x128xf32, #tpu.memory_space<vmem>>
      %dma_wait3A_271 = tpu.memref_squeeze %dma_wait3A_270 : memref<1x128x128xf32, #tpu.memory_space<vmem>> -> memref<128x128xf32, #tpu.memory_space<vmem>>
      %dma_wait3A_272 = arith.constant 0 : i32
      %dma_wait3A_273 = tpu.memref_slice %arg8[%add3A_82, %dma_wait3A_272] : memref<10240x128xf32, #tpu.memory_space<vmem_shared>> -> memref<128x128xf32, #tpu.memory_space<vmem_shared>>
      %dma_wait3A_274 = arith.constant 0 : i32
      %dma_wait3A_275 = arith.constant 0 : i32
      %dma_wait3A_276 = tpu.memref_slice %arg7[%run_scoped3A_83, %dma_wait3A_274, %dma_wait3A_275] : memref<2x128x128xf32, #tpu.memory_space<vmem>> -> memref<1x128x128xf32, #tpu.memory_space<vmem>>
      %dma_wait3A_277 = tpu.memref_squeeze %dma_wait3A_276 : memref<1x128x128xf32, #tpu.memory_space<vmem>> -> memref<128x128xf32, #tpu.memory_space<vmem>>
      %dma_wait3A_278 = arith.constant 0 : i32
      %dma_wait3A_279 = tpu.memref_slice %arg8[%add3A_82, %dma_wait3A_278] : memref<10240x128xf32, #tpu.memory_space<vmem_shared>> -> memref<128x128xf32, #tpu.memory_space<vmem_shared>>
      tpu.wait_dma2 semaphore(%run_scoped3A_255 : memref<!tpu.dma_semaphore, #tpu.memory_space<semaphore_mem>>) src(%dma_wait3A_279 : memref<128x128xf32, #tpu.memory_space<vmem_shared>>) dst(%dma_wait3A_277 : memref<128x128xf32, #tpu.memory_space<vmem>>)
      tpu.yield
    }) : () -> ()
    %dma_start3A_84 = arith.constant 0 : i32
    %dma_start3A_85 = arith.constant 0 : i32
    %dma_start3A_86 = arith.constant 0 : i32
    %dma_start3A_87 = tpu.memref_slice %arg7[%dma_start3A_84, %dma_start3A_85, %dma_start3A_86] : memref<2x128x128xf32, #tpu.memory_space<vmem>> -> memref<1x128x128xf32, #tpu.memory_space<vmem>>
    %dma_start3A_88 = tpu.memref_squeeze %dma_start3A_87 : memref<1x128x128xf32, #tpu.memory_space<vmem>> -> memref<128x128xf32, #tpu.memory_space<vmem>>
    %dma_start3A_89 = arith.constant 0 : i32
    %dma_start3A_90 = tpu.memref_slice %arg4[%arg0, %add3A_82, %dma_start3A_89] : memref<2x10240x128xf32, #tpu.memory_space<hbm>> -> memref<1x128x128xf32, #tpu.memory_space<hbm>>
    %dma_start3A_91 = tpu.memref_squeeze %dma_start3A_90 : memref<1x128x128xf32, #tpu.memory_space<hbm>> -> memref<128x128xf32, #tpu.memory_space<hbm>>
    %dma_start3A_92 = arith.constant 0 : i32
    %dma_start3A_93 = tpu.memref_slice %arg4[%arg0, %add3A_82, %dma_start3A_92] : memref<2x10240x128xf32, #tpu.memory_space<hbm>> -> memref<1x128x128xf32, #tpu.memory_space<hbm>>
    %dma_start3A_94 = tpu.memref_squeeze %dma_start3A_93 : memref<1x128x128xf32, #tpu.memory_space<hbm>> -> memref<128x128xf32, #tpu.memory_space<hbm>>
    %dma_start3A_95 = arith.constant 0 : i32
    %dma_start3A_96 = arith.constant 0 : i32
    %dma_start3A_97 = tpu.memref_slice %arg7[%dma_start3A_84, %dma_start3A_95, %dma_start3A_96] : memref<2x128x128xf32, #tpu.memory_space<vmem>> -> memref<1x128x128xf32, #tpu.memory_space<vmem>>
    %dma_start3A_98 = tpu.memref_squeeze %dma_start3A_97 : memref<1x128x128xf32, #tpu.memory_space<vmem>> -> memref<128x128xf32, #tpu.memory_space<vmem>>
    tpu.enqueue_dma source(%dma_start3A_98 : memref<128x128xf32, #tpu.memory_space<vmem>>) target(%dma_start3A_94 : memref<128x128xf32, #tpu.memory_space<hbm>>) target_semaphore(%arg11 : memref<!tpu.dma_semaphore, #tpu.memory_space<semaphore_mem>>)
    %add3A_99 = arith.constant 128 : i32
    %add3A_100 = arith.addi %mul3A_8, %add3A_99 : i32
    %run_scoped3A_101 = arith.constant 1 : i32
    "tpu.region"() ({
      %run_scoped3A_255 = tpu.sem_alloc : memref<!tpu.dma_semaphore, #tpu.memory_space<semaphore_mem>>
      %dma_start3A_256 = arith.constant 0 : i32
      %dma_start3A_257 = arith.constant 0 : i32
      %dma_start3A_258 = tpu.memref_slice %arg7[%run_scoped3A_101, %dma_start3A_256, %dma_start3A_257] : memref<2x128x128xf32, #tpu.memory_space<vmem>> -> memref<1x128x128xf32, #tpu.memory_space<vmem>>
      %dma_start3A_259 = tpu.memref_squeeze %dma_start3A_258 : memref<1x128x128xf32, #tpu.memory_space<vmem>> -> memref<128x128xf32, #tpu.memory_space<vmem>>
      %dma_start3A_260 = arith.constant 0 : i32
      %dma_start3A_261 = tpu.memref_slice %arg8[%add3A_100, %dma_start3A_260] : memref<10240x128xf32, #tpu.memory_space<vmem_shared>> -> memref<128x128xf32, #tpu.memory_space<vmem_shared>>
      %dma_start3A_262 = arith.constant 0 : i32
      %dma_start3A_263 = arith.constant 0 : i32
      %dma_start3A_264 = tpu.memref_slice %arg7[%run_scoped3A_101, %dma_start3A_262, %dma_start3A_263] : memref<2x128x128xf32, #tpu.memory_space<vmem>> -> memref<1x128x128xf32, #tpu.memory_space<vmem>>
      %dma_start3A_265 = tpu.memref_squeeze %dma_start3A_264 : memref<1x128x128xf32, #tpu.memory_space<vmem>> -> memref<128x128xf32, #tpu.memory_space<vmem>>
      %dma_start3A_266 = arith.constant 0 : i32
      %dma_start3A_267 = tpu.memref_slice %arg8[%add3A_100, %dma_start3A_266] : memref<10240x128xf32, #tpu.memory_space<vmem_shared>> -> memref<128x128xf32, #tpu.memory_space<vmem_shared>>
      tpu.enqueue_dma source(%dma_start3A_267 : memref<128x128xf32, #tpu.memory_space<vmem_shared>>) target(%dma_start3A_265 : memref<128x128xf32, #tpu.memory_space<vmem>>) target_semaphore(%run_scoped3A_255 : memref<!tpu.dma_semaphore, #tpu.memory_space<semaphore_mem>>)
      %dma_wait3A_268 = arith.constant 0 : i32
      %dma_wait3A_269 = arith.constant 0 : i32
      %dma_wait3A_270 = tpu.memref_slice %arg7[%run_scoped3A_101, %dma_wait3A_268, %dma_wait3A_269] : memref<2x128x128xf32, #tpu.memory_space<vmem>> -> memref<1x128x128xf32, #tpu.memory_space<vmem>>
      %dma_wait3A_271 = tpu.memref_squeeze %dma_wait3A_270 : memref<1x128x128xf32, #tpu.memory_space<vmem>> -> memref<128x128xf32, #tpu.memory_space<vmem>>
      %dma_wait3A_272 = arith.constant 0 : i32
      %dma_wait3A_273 = tpu.memref_slice %arg8[%add3A_100, %dma_wait3A_272] : memref<10240x128xf32, #tpu.memory_space<vmem_shared>> -> memref<128x128xf32, #tpu.memory_space<vmem_shared>>
      %dma_wait3A_274 = arith.constant 0 : i32
      %dma_wait3A_275 = arith.constant 0 : i32
      %dma_wait3A_276 = tpu.memref_slice %arg7[%run_scoped3A_101, %dma_wait3A_274, %dma_wait3A_275] : memref<2x128x128xf32, #tpu.memory_space<vmem>> -> memref<1x128x128xf32, #tpu.memory_space<vmem>>
      %dma_wait3A_277 = tpu.memref_squeeze %dma_wait3A_276 : memref<1x128x128xf32, #tpu.memory_space<vmem>> -> memref<128x128xf32, #tpu.memory_space<vmem>>
      %dma_wait3A_278 = arith.constant 0 : i32
      %dma_wait3A_279 = tpu.memref_slice %arg8[%add3A_100, %dma_wait3A_278] : memref<10240x128xf32, #tpu.memory_space<vmem_shared>> -> memref<128x128xf32, #tpu.memory_space<vmem_shared>>
      tpu.wait_dma2 semaphore(%run_scoped3A_255 : memref<!tpu.dma_semaphore, #tpu.memory_space<semaphore_mem>>) src(%dma_wait3A_279 : memref<128x128xf32, #tpu.memory_space<vmem_shared>>) dst(%dma_wait3A_277 : memref<128x128xf32, #tpu.memory_space<vmem>>)
      tpu.yield
    }) : () -> ()
    %dma_start3A_102 = arith.constant 1 : i32
    %dma_start3A_103 = arith.constant 0 : i32
    %dma_start3A_104 = arith.constant 0 : i32
    %dma_start3A_105 = tpu.memref_slice %arg7[%dma_start3A_102, %dma_start3A_103, %dma_start3A_104] : memref<2x128x128xf32, #tpu.memory_space<vmem>> -> memref<1x128x128xf32, #tpu.memory_space<vmem>>
    %dma_start3A_106 = tpu.memref_squeeze %dma_start3A_105 : memref<1x128x128xf32, #tpu.memory_space<vmem>> -> memref<128x128xf32, #tpu.memory_space<vmem>>
    %dma_start3A_107 = arith.constant 0 : i32
    %dma_start3A_108 = tpu.memref_slice %arg4[%arg0, %add3A_100, %dma_start3A_107] : memref<2x10240x128xf32, #tpu.memory_space<hbm>> -> memref<1x128x128xf32, #tpu.memory_space<hbm>>
    %dma_start3A_109 = tpu.memref_squeeze %dma_start3A_108 : memref<1x128x128xf32, #tpu.memory_space<hbm>> -> memref<128x128xf32, #tpu.memory_space<hbm>>
    %dma_start3A_110 = arith.constant 0 : i32
    %dma_start3A_111 = tpu.memref_slice %arg4[%arg0, %add3A_100, %dma_start3A_110] : memref<2x10240x128xf32, #tpu.memory_space<hbm>> -> memref<1x128x128xf32, #tpu.memory_space<hbm>>
    %dma_start3A_112 = tpu.memref_squeeze %dma_start3A_111 : memref<1x128x128xf32, #tpu.memory_space<hbm>> -> memref<128x128xf32, #tpu.memory_space<hbm>>
    %dma_start3A_113 = arith.constant 0 : i32
    %dma_start3A_114 = arith.constant 0 : i32
    %dma_start3A_115 = tpu.memref_slice %arg7[%dma_start3A_102, %dma_start3A_113, %dma_start3A_114] : memref<2x128x128xf32, #tpu.memory_space<vmem>> -> memref<1x128x128xf32, #tpu.memory_space<vmem>>
    %dma_start3A_116 = tpu.memref_squeeze %dma_start3A_115 : memref<1x128x128xf32, #tpu.memory_space<vmem>> -> memref<128x128xf32, #tpu.memory_space<vmem>>
    tpu.enqueue_dma source(%dma_start3A_116 : memref<128x128xf32, #tpu.memory_space<vmem>>) target(%dma_start3A_112 : memref<128x128xf32, #tpu.memory_space<hbm>>) target_semaphore(%arg11 : memref<!tpu.dma_semaphore, #tpu.memory_space<semaphore_mem>>)
    %add3A_117 = arith.constant 256 : i32
    %add3A_118 = arith.addi %mul3A_8, %add3A_117 : i32
    %add3A_119 = arith.constant 0 : i32
    %add3A_120 = arith.addi %mul3A_8, %add3A_119 : i32
    %dma_wait3A = arith.constant 0 : i32
    %dma_wait3A_121 = arith.constant 0 : i32
    %dma_wait3A_122 = arith.constant 0 : i32
    %dma_wait3A_123 = tpu.memref_slice %arg7[%dma_wait3A, %dma_wait3A_121, %dma_wait3A_122] : memref<2x128x128xf32, #tpu.memory_space<vmem>> -> memref<1x128x128xf32, #tpu.memory_space<vmem>>
    %dma_wait3A_124 = tpu.memref_squeeze %dma_wait3A_123 : memref<1x128x128xf32, #tpu.memory_space<vmem>> -> memref<128x128xf32, #tpu.memory_space<vmem>>
    %dma_wait3A_125 = arith.constant 0 : i32
    %dma_wait3A_126 = tpu.memref_slice %arg4[%arg0, %add3A_120, %dma_wait3A_125] : memref<2x10240x128xf32, #tpu.memory_space<hbm>> -> memref<1x128x128xf32, #tpu.memory_space<hbm>>
    %dma_wait3A_127 = tpu.memref_squeeze %dma_wait3A_126 : memref<1x128x128xf32, #tpu.memory_space<hbm>> -> memref<128x128xf32, #tpu.memory_space<hbm>>
    %dma_wait3A_128 = arith.constant 0 : i32
    %dma_wait3A_129 = tpu.memref_slice %arg4[%arg0, %add3A_120, %dma_wait3A_128] : memref<2x10240x128xf32, #tpu.memory_space<hbm>> -> memref<1x128x128xf32, #tpu.memory_space<hbm>>
    %dma_wait3A_130 = tpu.memref_squeeze %dma_wait3A_129 : memref<1x128x128xf32, #tpu.memory_space<hbm>> -> memref<128x128xf32, #tpu.memory_space<hbm>>
    %dma_wait3A_131 = arith.constant 0 : i32
    %dma_wait3A_132 = arith.constant 0 : i32
    %dma_wait3A_133 = tpu.memref_slice %arg7[%dma_wait3A, %dma_wait3A_131, %dma_wait3A_132] : memref<2x128x128xf32, #tpu.memory_space<vmem>> -> memref<1x128x128xf32, #tpu.memory_space<vmem>>
    %dma_wait3A_134 = tpu.memref_squeeze %dma_wait3A_133 : memref<1x128x128xf32, #tpu.memory_space<vmem>> -> memref<128x128xf32, #tpu.memory_space<vmem>>
    tpu.wait_dma2 semaphore(%arg11 : memref<!tpu.dma_semaphore, #tpu.memory_space<semaphore_mem>>) src(%dma_wait3A_134 : memref<128x128xf32, #tpu.memory_space<vmem>>) dst(%dma_wait3A_130 : memref<128x128xf32, #tpu.memory_space<hbm>>)
    %run_scoped3A_135 = arith.constant 0 : i32
    "tpu.region"() ({
      %run_scoped3A_255 = tpu.sem_alloc : memref<!tpu.dma_semaphore, #tpu.memory_space<semaphore_mem>>
      %dma_start3A_256 = arith.constant 0 : i32
      %dma_start3A_257 = arith.constant 0 : i32
      %dma_start3A_258 = tpu.memref_slice %arg7[%run_scoped3A_135, %dma_start3A_256, %dma_start3A_257] : memref<2x128x128xf32, #tpu.memory_space<vmem>> -> memref<1x128x128xf32, #tpu.memory_space<vmem>>
      %dma_start3A_259 = tpu.memref_squeeze %dma_start3A_258 : memref<1x128x128xf32, #tpu.memory_space<vmem>> -> memref<128x128xf32, #tpu.memory_space<vmem>>
      %dma_start3A_260 = arith.constant 0 : i32
      %dma_start3A_261 = tpu.memref_slice %arg8[%add3A_118, %dma_start3A_260] : memref<10240x128xf32, #tpu.memory_space<vmem_shared>> -> memref<128x128xf32, #tpu.memory_space<vmem_shared>>
      %dma_start3A_262 = arith.constant 0 : i32
      %dma_start3A_263 = arith.constant 0 : i32
      %dma_start3A_264 = tpu.memref_slice %arg7[%run_scoped3A_135, %dma_start3A_262, %dma_start3A_263] : memref<2x128x128xf32, #tpu.memory_space<vmem>> -> memref<1x128x128xf32, #tpu.memory_space<vmem>>
      %dma_start3A_265 = tpu.memref_squeeze %dma_start3A_264 : memref<1x128x128xf32, #tpu.memory_space<vmem>> -> memref<128x128xf32, #tpu.memory_space<vmem>>
      %dma_start3A_266 = arith.constant 0 : i32
      %dma_start3A_267 = tpu.memref_slice %arg8[%add3A_118, %dma_start3A_266] : memref<10240x128xf32, #tpu.memory_space<vmem_shared>> -> memref<128x128xf32, #tpu.memory_space<vmem_shared>>
      tpu.enqueue_dma source(%dma_start3A_267 : memref<128x128xf32, #tpu.memory_space<vmem_shared>>) target(%dma_start3A_265 : memref<128x128xf32, #tpu.memory_space<vmem>>) target_semaphore(%run_scoped3A_255 : memref<!tpu.dma_semaphore, #tpu.memory_space<semaphore_mem>>)
      %dma_wait3A_268 = arith.constant 0 : i32
      %dma_wait3A_269 = arith.constant 0 : i32
      %dma_wait3A_270 = tpu.memref_slice %arg7[%run_scoped3A_135, %dma_wait3A_268, %dma_wait3A_269] : memref<2x128x128xf32, #tpu.memory_space<vmem>> -> memref<1x128x128xf32, #tpu.memory_space<vmem>>
      %dma_wait3A_271 = tpu.memref_squeeze %dma_wait3A_270 : memref<1x128x128xf32, #tpu.memory_space<vmem>> -> memref<128x128xf32, #tpu.memory_space<vmem>>
      %dma_wait3A_272 = arith.constant 0 : i32
      %dma_wait3A_273 = tpu.memref_slice %arg8[%add3A_118, %dma_wait3A_272] : memref<10240x128xf32, #tpu.memory_space<vmem_shared>> -> memref<128x128xf32, #tpu.memory_space<vmem_shared>>
      %dma_wait3A_274 = arith.constant 0 : i32
      %dma_wait3A_275 = arith.constant 0 : i32
      %dma_wait3A_276 = tpu.memref_slice %arg7[%run_scoped3A_135, %dma_wait3A_274, %dma_wait3A_275] : memref<2x128x128xf32, #tpu.memory_space<vmem>> -> memref<1x128x128xf32, #tpu.memory_space<vmem>>
      %dma_wait3A_277 = tpu.memref_squeeze %dma_wait3A_276 : memref<1x128x128xf32, #tpu.memory_space<vmem>> -> memref<128x128xf32, #tpu.memory_space<vmem>>
      %dma_wait3A_278 = arith.constant 0 : i32
      %dma_wait3A_279 = tpu.memref_slice %arg8[%add3A_118, %dma_wait3A_278] : memref<10240x128xf32, #tpu.memory_space<vmem_shared>> -> memref<128x128xf32, #tpu.memory_space<vmem_shared>>
      tpu.wait_dma2 semaphore(%run_scoped3A_255 : memref<!tpu.dma_semaphore, #tpu.memory_space<semaphore_mem>>) src(%dma_wait3A_279 : memref<128x128xf32, #tpu.memory_space<vmem_shared>>) dst(%dma_wait3A_277 : memref<128x128xf32, #tpu.memory_space<vmem>>)
      tpu.yield
    }) : () -> ()
    %dma_start3A_136 = arith.constant 0 : i32
    %dma_start3A_137 = arith.constant 0 : i32
    %dma_start3A_138 = arith.constant 0 : i32
    %dma_start3A_139 = tpu.memref_slice %arg7[%dma_start3A_136, %dma_start3A_137, %dma_start3A_138] : memref<2x128x128xf32, #tpu.memory_space<vmem>> -> memref<1x128x128xf32, #tpu.memory_space<vmem>>
    %dma_start3A_140 = tpu.memref_squeeze %dma_start3A_139 : memref<1x128x128xf32, #tpu.memory_space<vmem>> -> memref<128x128xf32, #tpu.memory_space<vmem>>
    %dma_start3A_141 = arith.constant 0 : i32
    %dma_start3A_142 = tpu.memref_slice %arg4[%arg0, %add3A_118, %dma_start3A_141] : memref<2x10240x128xf32, #tpu.memory_space<hbm>> -> memref<1x128x128xf32, #tpu.memory_space<hbm>>
    %dma_start3A_143 = tpu.memref_squeeze %dma_start3A_142 : memref<1x128x128xf32, #tpu.memory_space<hbm>> -> memref<128x128xf32, #tpu.memory_space<hbm>>
    %dma_start3A_144 = arith.constant 0 : i32
    %dma_start3A_145 = tpu.memref_slice %arg4[%arg0, %add3A_118, %dma_start3A_144] : memref<2x10240x128xf32, #tpu.memory_space<hbm>> -> memref<1x128x128xf32, #tpu.memory_space<hbm>>
    %dma_start3A_146 = tpu.memref_squeeze %dma_start3A_145 : memref<1x128x128xf32, #tpu.memory_space<hbm>> -> memref<128x128xf32, #tpu.memory_space<hbm>>
    %dma_start3A_147 = arith.constant 0 : i32
    %dma_start3A_148 = arith.constant 0 : i32
    %dma_start3A_149 = tpu.memref_slice %arg7[%dma_start3A_136, %dma_start3A_147, %dma_start3A_148] : memref<2x128x128xf32, #tpu.memory_space<vmem>> -> memref<1x128x128xf32, #tpu.memory_space<vmem>>
    %dma_start3A_150 = tpu.memref_squeeze %dma_start3A_149 : memref<1x128x128xf32, #tpu.memory_space<vmem>> -> memref<128x128xf32, #tpu.memory_space<vmem>>
    tpu.enqueue_dma source(%dma_start3A_150 : memref<128x128xf32, #tpu.memory_space<vmem>>) target(%dma_start3A_146 : memref<128x128xf32, #tpu.memory_space<hbm>>) target_semaphore(%arg11 : memref<!tpu.dma_semaphore, #tpu.memory_space<semaphore_mem>>)
    %add3A_151 = arith.constant 384 : i32
    %add3A_152 = arith.addi %mul3A_8, %add3A_151 : i32
    %add3A_153 = arith.constant 128 : i32
    %add3A_154 = arith.addi %mul3A_8, %add3A_153 : i32
    %dma_wait3A_155 = arith.constant 1 : i32
    %dma_wait3A_156 = arith.constant 0 : i32
    %dma_wait3A_157 = arith.constant 0 : i32
    %dma_wait3A_158 = tpu.memref_slice %arg7[%dma_wait3A_155, %dma_wait3A_156, %dma_wait3A_157] : memref<2x128x128xf32, #tpu.memory_space<vmem>> -> memref<1x128x128xf32, #tpu.memory_space<vmem>>
    %dma_wait3A_159 = tpu.memref_squeeze %dma_wait3A_158 : memref<1x128x128xf32, #tpu.memory_space<vmem>> -> memref<128x128xf32, #tpu.memory_space<vmem>>
    %dma_wait3A_160 = arith.constant 0 : i32
    %dma_wait3A_161 = tpu.memref_slice %arg4[%arg0, %add3A_154, %dma_wait3A_160] : memref<2x10240x128xf32, #tpu.memory_space<hbm>> -> memref<1x128x128xf32, #tpu.memory_space<hbm>>
    %dma_wait3A_162 = tpu.memref_squeeze %dma_wait3A_161 : memref<1x128x128xf32, #tpu.memory_space<hbm>> -> memref<128x128xf32, #tpu.memory_space<hbm>>
    %dma_wait3A_163 = arith.constant 0 : i32
    %dma_wait3A_164 = tpu.memref_slice %arg4[%arg0, %add3A_154, %dma_wait3A_163] : memref<2x10240x128xf32, #tpu.memory_space<hbm>> -> memref<1x128x128xf32, #tpu.memory_space<hbm>>
    %dma_wait3A_165 = tpu.memref_squeeze %dma_wait3A_164 : memref<1x128x128xf32, #tpu.memory_space<hbm>> -> memref<128x128xf32, #tpu.memory_space<hbm>>
    %dma_wait3A_166 = arith.constant 0 : i32
    %dma_wait3A_167 = arith.constant 0 : i32
    %dma_wait3A_168 = tpu.memref_slice %arg7[%dma_wait3A_155, %dma_wait3A_166, %dma_wait3A_167] : memref<2x128x128xf32, #tpu.memory_space<vmem>> -> memref<1x128x128xf32, #tpu.memory_space<vmem>>
    %dma_wait3A_169 = tpu.memref_squeeze %dma_wait3A_168 : memref<1x128x128xf32, #tpu.memory_space<vmem>> -> memref<128x128xf32, #tpu.memory_space<vmem>>
    tpu.wait_dma2 semaphore(%arg11 : memref<!tpu.dma_semaphore, #tpu.memory_space<semaphore_mem>>) src(%dma_wait3A_169 : memref<128x128xf32, #tpu.memory_space<vmem>>) dst(%dma_wait3A_165 : memref<128x128xf32, #tpu.memory_space<hbm>>)
    %run_scoped3A_170 = arith.constant 1 : i32
    "tpu.region"() ({
      %run_scoped3A_255 = tpu.sem_alloc : memref<!tpu.dma_semaphore, #tpu.memory_space<semaphore_mem>>
      %dma_start3A_256 = arith.constant 0 : i32
      %dma_start3A_257 = arith.constant 0 : i32
      %dma_start3A_258 = tpu.memref_slice %arg7[%run_scoped3A_170, %dma_start3A_256, %dma_start3A_257] : memref<2x128x128xf32, #tpu.memory_space<vmem>> -> memref<1x128x128xf32, #tpu.memory_space<vmem>>
      %dma_start3A_259 = tpu.memref_squeeze %dma_start3A_258 : memref<1x128x128xf32, #tpu.memory_space<vmem>> -> memref<128x128xf32, #tpu.memory_space<vmem>>
      %dma_start3A_260 = arith.constant 0 : i32
      %dma_start3A_261 = tpu.memref_slice %arg8[%add3A_152, %dma_start3A_260] : memref<10240x128xf32, #tpu.memory_space<vmem_shared>> -> memref<128x128xf32, #tpu.memory_space<vmem_shared>>
      %dma_start3A_262 = arith.constant 0 : i32
      %dma_start3A_263 = arith.constant 0 : i32
      %dma_start3A_264 = tpu.memref_slice %arg7[%run_scoped3A_170, %dma_start3A_262, %dma_start3A_263] : memref<2x128x128xf32, #tpu.memory_space<vmem>> -> memref<1x128x128xf32, #tpu.memory_space<vmem>>
      %dma_start3A_265 = tpu.memref_squeeze %dma_start3A_264 : memref<1x128x128xf32, #tpu.memory_space<vmem>> -> memref<128x128xf32, #tpu.memory_space<vmem>>
      %dma_start3A_266 = arith.constant 0 : i32
      %dma_start3A_267 = tpu.memref_slice %arg8[%add3A_152, %dma_start3A_266] : memref<10240x128xf32, #tpu.memory_space<vmem_shared>> -> memref<128x128xf32, #tpu.memory_space<vmem_shared>>
      tpu.enqueue_dma source(%dma_start3A_267 : memref<128x128xf32, #tpu.memory_space<vmem_shared>>) target(%dma_start3A_265 : memref<128x128xf32, #tpu.memory_space<vmem>>) target_semaphore(%run_scoped3A_255 : memref<!tpu.dma_semaphore, #tpu.memory_space<semaphore_mem>>)
      %dma_wait3A_268 = arith.constant 0 : i32
      %dma_wait3A_269 = arith.constant 0 : i32
      %dma_wait3A_270 = tpu.memref_slice %arg7[%run_scoped3A_170, %dma_wait3A_268, %dma_wait3A_269] : memref<2x128x128xf32, #tpu.memory_space<vmem>> -> memref<1x128x128xf32, #tpu.memory_space<vmem>>
      %dma_wait3A_271 = tpu.memref_squeeze %dma_wait3A_270 : memref<1x128x128xf32, #tpu.memory_space<vmem>> -> memref<128x128xf32, #tpu.memory_space<vmem>>
      %dma_wait3A_272 = arith.constant 0 : i32
      %dma_wait3A_273 = tpu.memref_slice %arg8[%add3A_152, %dma_wait3A_272] : memref<10240x128xf32, #tpu.memory_space<vmem_shared>> -> memref<128x128xf32, #tpu.memory_space<vmem_shared>>
      %dma_wait3A_274 = arith.constant 0 : i32
      %dma_wait3A_275 = arith.constant 0 : i32
      %dma_wait3A_276 = tpu.memref_slice %arg7[%run_scoped3A_170, %dma_wait3A_274, %dma_wait3A_275] : memref<2x128x128xf32, #tpu.memory_space<vmem>> -> memref<1x128x128xf32, #tpu.memory_space<vmem>>
      %dma_wait3A_277 = tpu.memref_squeeze %dma_wait3A_276 : memref<1x128x128xf32, #tpu.memory_space<vmem>> -> memref<128x128xf32, #tpu.memory_space<vmem>>
      %dma_wait3A_278 = arith.constant 0 : i32
      %dma_wait3A_279 = tpu.memref_slice %arg8[%add3A_152, %dma_wait3A_278] : memref<10240x128xf32, #tpu.memory_space<vmem_shared>> -> memref<128x128xf32, #tpu.memory_space<vmem_shared>>
      tpu.wait_dma2 semaphore(%run_scoped3A_255 : memref<!tpu.dma_semaphore, #tpu.memory_space<semaphore_mem>>) src(%dma_wait3A_279 : memref<128x128xf32, #tpu.memory_space<vmem_shared>>) dst(%dma_wait3A_277 : memref<128x128xf32, #tpu.memory_space<vmem>>)
      tpu.yield
    }) : () -> ()
    %dma_start3A_171 = arith.constant 1 : i32
    %dma_start3A_172 = arith.constant 0 : i32
    %dma_start3A_173 = arith.constant 0 : i32
    %dma_start3A_174 = tpu.memref_slice %arg7[%dma_start3A_171, %dma_start3A_172, %dma_start3A_173] : memref<2x128x128xf32, #tpu.memory_space<vmem>> -> memref<1x128x128xf32, #tpu.memory_space<vmem>>
    %dma_start3A_175 = tpu.memref_squeeze %dma_start3A_174 : memref<1x128x128xf32, #tpu.memory_space<vmem>> -> memref<128x128xf32, #tpu.memory_space<vmem>>
    %dma_start3A_176 = arith.constant 0 : i32
    %dma_start3A_177 = tpu.memref_slice %arg4[%arg0, %add3A_152, %dma_start3A_176] : memref<2x10240x128xf32, #tpu.memory_space<hbm>> -> memref<1x128x128xf32, #tpu.memory_space<hbm>>
    %dma_start3A_178 = tpu.memref_squeeze %dma_start3A_177 : memref<1x128x128xf32, #tpu.memory_space<hbm>> -> memref<128x128xf32, #tpu.memory_space<hbm>>
    %dma_start3A_179 = arith.constant 0 : i32
    %dma_start3A_180 = tpu.memref_slice %arg4[%arg0, %add3A_152, %dma_start3A_179] : memref<2x10240x128xf32, #tpu.memory_space<hbm>> -> memref<1x128x128xf32, #tpu.memory_space<hbm>>
    %dma_start3A_181 = tpu.memref_squeeze %dma_start3A_180 : memref<1x128x128xf32, #tpu.memory_space<hbm>> -> memref<128x128xf32, #tpu.memory_space<hbm>>
    %dma_start3A_182 = arith.constant 0 : i32
    %dma_start3A_183 = arith.constant 0 : i32
    %dma_start3A_184 = tpu.memref_slice %arg7[%dma_start3A_171, %dma_start3A_182, %dma_start3A_183] : memref<2x128x128xf32, #tpu.memory_space<vmem>> -> memref<1x128x128xf32, #tpu.memory_space<vmem>>
    %dma_start3A_185 = tpu.memref_squeeze %dma_start3A_184 : memref<1x128x128xf32, #tpu.memory_space<vmem>> -> memref<128x128xf32, #tpu.memory_space<vmem>>
    tpu.enqueue_dma source(%dma_start3A_185 : memref<128x128xf32, #tpu.memory_space<vmem>>) target(%dma_start3A_181 : memref<128x128xf32, #tpu.memory_space<hbm>>) target_semaphore(%arg11 : memref<!tpu.dma_semaphore, #tpu.memory_space<semaphore_mem>>)
    %add3A_186 = arith.constant 512 : i32
    %add3A_187 = arith.addi %mul3A_8, %add3A_186 : i32
    %add3A_188 = arith.constant 256 : i32
    %add3A_189 = arith.addi %mul3A_8, %add3A_188 : i32
    %dma_wait3A_190 = arith.constant 0 : i32
    %dma_wait3A_191 = arith.constant 0 : i32
    %dma_wait3A_192 = arith.constant 0 : i32
    %dma_wait3A_193 = tpu.memref_slice %arg7[%dma_wait3A_190, %dma_wait3A_191, %dma_wait3A_192] : memref<2x128x128xf32, #tpu.memory_space<vmem>> -> memref<1x128x128xf32, #tpu.memory_space<vmem>>
    %dma_wait3A_194 = tpu.memref_squeeze %dma_wait3A_193 : memref<1x128x128xf32, #tpu.memory_space<vmem>> -> memref<128x128xf32, #tpu.memory_space<vmem>>
    %dma_wait3A_195 = arith.constant 0 : i32
    %dma_wait3A_196 = tpu.memref_slice %arg4[%arg0, %add3A_189, %dma_wait3A_195] : memref<2x10240x128xf32, #tpu.memory_space<hbm>> -> memref<1x128x128xf32, #tpu.memory_space<hbm>>
    %dma_wait3A_197 = tpu.memref_squeeze %dma_wait3A_196 : memref<1x128x128xf32, #tpu.memory_space<hbm>> -> memref<128x128xf32, #tpu.memory_space<hbm>>
    %dma_wait3A_198 = arith.constant 0 : i32
    %dma_wait3A_199 = tpu.memref_slice %arg4[%arg0, %add3A_189, %dma_wait3A_198] : memref<2x10240x128xf32, #tpu.memory_space<hbm>> -> memref<1x128x128xf32, #tpu.memory_space<hbm>>
    %dma_wait3A_200 = tpu.memref_squeeze %dma_wait3A_199 : memref<1x128x128xf32, #tpu.memory_space<hbm>> -> memref<128x128xf32, #tpu.memory_space<hbm>>
    %dma_wait3A_201 = arith.constant 0 : i32
    %dma_wait3A_202 = arith.constant 0 : i32
    %dma_wait3A_203 = tpu.memref_slice %arg7[%dma_wait3A_190, %dma_wait3A_201, %dma_wait3A_202] : memref<2x128x128xf32, #tpu.memory_space<vmem>> -> memref<1x128x128xf32, #tpu.memory_space<vmem>>
    %dma_wait3A_204 = tpu.memref_squeeze %dma_wait3A_203 : memref<1x128x128xf32, #tpu.memory_space<vmem>> -> memref<128x128xf32, #tpu.memory_space<vmem>>
    tpu.wait_dma2 semaphore(%arg11 : memref<!tpu.dma_semaphore, #tpu.memory_space<semaphore_mem>>) src(%dma_wait3A_204 : memref<128x128xf32, #tpu.memory_space<vmem>>) dst(%dma_wait3A_200 : memref<128x128xf32, #tpu.memory_space<hbm>>)
    %run_scoped3A_205 = arith.constant 0 : i32
    "tpu.region"() ({
      %run_scoped3A_255 = tpu.sem_alloc : memref<!tpu.dma_semaphore, #tpu.memory_space<semaphore_mem>>
      %dma_start3A_256 = arith.constant 0 : i32
      %dma_start3A_257 = arith.constant 0 : i32
      %dma_start3A_258 = tpu.memref_slice %arg7[%run_scoped3A_205, %dma_start3A_256, %dma_start3A_257] : memref<2x128x128xf32, #tpu.memory_space<vmem>> -> memref<1x128x128xf32, #tpu.memory_space<vmem>>
      %dma_start3A_259 = tpu.memref_squeeze %dma_start3A_258 : memref<1x128x128xf32, #tpu.memory_space<vmem>> -> memref<128x128xf32, #tpu.memory_space<vmem>>
      %dma_start3A_260 = arith.constant 0 : i32
      %dma_start3A_261 = tpu.memref_slice %arg8[%add3A_187, %dma_start3A_260] : memref<10240x128xf32, #tpu.memory_space<vmem_shared>> -> memref<128x128xf32, #tpu.memory_space<vmem_shared>>
      %dma_start3A_262 = arith.constant 0 : i32
      %dma_start3A_263 = arith.constant 0 : i32
      %dma_start3A_264 = tpu.memref_slice %arg7[%run_scoped3A_205, %dma_start3A_262, %dma_start3A_263] : memref<2x128x128xf32, #tpu.memory_space<vmem>> -> memref<1x128x128xf32, #tpu.memory_space<vmem>>
      %dma_start3A_265 = tpu.memref_squeeze %dma_start3A_264 : memref<1x128x128xf32, #tpu.memory_space<vmem>> -> memref<128x128xf32, #tpu.memory_space<vmem>>
      %dma_start3A_266 = arith.constant 0 : i32
      %dma_start3A_267 = tpu.memref_slice %arg8[%add3A_187, %dma_start3A_266] : memref<10240x128xf32, #tpu.memory_space<vmem_shared>> -> memref<128x128xf32, #tpu.memory_space<vmem_shared>>
      tpu.enqueue_dma source(%dma_start3A_267 : memref<128x128xf32, #tpu.memory_space<vmem_shared>>) target(%dma_start3A_265 : memref<128x128xf32, #tpu.memory_space<vmem>>) target_semaphore(%run_scoped3A_255 : memref<!tpu.dma_semaphore, #tpu.memory_space<semaphore_mem>>)
      %dma_wait3A_268 = arith.constant 0 : i32
      %dma_wait3A_269 = arith.constant 0 : i32
      %dma_wait3A_270 = tpu.memref_slice %arg7[%run_scoped3A_205, %dma_wait3A_268, %dma_wait3A_269] : memref<2x128x128xf32, #tpu.memory_space<vmem>> -> memref<1x128x128xf32, #tpu.memory_space<vmem>>
      %dma_wait3A_271 = tpu.memref_squeeze %dma_wait3A_270 : memref<1x128x128xf32, #tpu.memory_space<vmem>> -> memref<128x128xf32, #tpu.memory_space<vmem>>
      %dma_wait3A_272 = arith.constant 0 : i32
      %dma_wait3A_273 = tpu.memref_slice %arg8[%add3A_187, %dma_wait3A_272] : memref<10240x128xf32, #tpu.memory_space<vmem_shared>> -> memref<128x128xf32, #tpu.memory_space<vmem_shared>>
      %dma_wait3A_274 = arith.constant 0 : i32
      %dma_wait3A_275 = arith.constant 0 : i32
      %dma_wait3A_276 = tpu.memref_slice %arg7[%run_scoped3A_205, %dma_wait3A_274, %dma_wait3A_275] : memref<2x128x128xf32, #tpu.memory_space<vmem>> -> memref<1x128x128xf32, #tpu.memory_space<vmem>>
      %dma_wait3A_277 = tpu.memref_squeeze %dma_wait3A_276 : memref<1x128x128xf32, #tpu.memory_space<vmem>> -> memref<128x128xf32, #tpu.memory_space<vmem>>
      %dma_wait3A_278 = arith.constant 0 : i32
      %dma_wait3A_279 = tpu.memref_slice %arg8[%add3A_187, %dma_wait3A_278] : memref<10240x128xf32, #tpu.memory_space<vmem_shared>> -> memref<128x128xf32, #tpu.memory_space<vmem_shared>>
      tpu.wait_dma2 semaphore(%run_scoped3A_255 : memref<!tpu.dma_semaphore, #tpu.memory_space<semaphore_mem>>) src(%dma_wait3A_279 : memref<128x128xf32, #tpu.memory_space<vmem_shared>>) dst(%dma_wait3A_277 : memref<128x128xf32, #tpu.memory_space<vmem>>)
      tpu.yield
    }) : () -> ()
    %dma_start3A_206 = arith.constant 0 : i32
    %dma_start3A_207 = arith.constant 0 : i32
    %dma_start3A_208 = arith.constant 0 : i32
    %dma_start3A_209 = tpu.memref_slice %arg7[%dma_start3A_206, %dma_start3A_207, %dma_start3A_208] : memref<2x128x128xf32, #tpu.memory_space<vmem>> -> memref<1x128x128xf32, #tpu.memory_space<vmem>>
    %dma_start3A_210 = tpu.memref_squeeze %dma_start3A_209 : memref<1x128x128xf32, #tpu.memory_space<vmem>> -> memref<128x128xf32, #tpu.memory_space<vmem>>
    %dma_start3A_211 = arith.constant 0 : i32
    %dma_start3A_212 = tpu.memref_slice %arg4[%arg0, %add3A_187, %dma_start3A_211] : memref<2x10240x128xf32, #tpu.memory_space<hbm>> -> memref<1x128x128xf32, #tpu.memory_space<hbm>>
    %dma_start3A_213 = tpu.memref_squeeze %dma_start3A_212 : memref<1x128x128xf32, #tpu.memory_space<hbm>> -> memref<128x128xf32, #tpu.memory_space<hbm>>
    %dma_start3A_214 = arith.constant 0 : i32
    %dma_start3A_215 = tpu.memref_slice %arg4[%arg0, %add3A_187, %dma_start3A_214] : memref<2x10240x128xf32, #tpu.memory_space<hbm>> -> memref<1x128x128xf32, #tpu.memory_space<hbm>>
    %dma_start3A_216 = tpu.memref_squeeze %dma_start3A_215 : memref<1x128x128xf32, #tpu.memory_space<hbm>> -> memref<128x128xf32, #tpu.memory_space<hbm>>
    %dma_start3A_217 = arith.constant 0 : i32
    %dma_start3A_218 = arith.constant 0 : i32
    %dma_start3A_219 = tpu.memref_slice %arg7[%dma_start3A_206, %dma_start3A_217, %dma_start3A_218] : memref<2x128x128xf32, #tpu.memory_space<vmem>> -> memref<1x128x128xf32, #tpu.memory_space<vmem>>
    %dma_start3A_220 = tpu.memref_squeeze %dma_start3A_219 : memref<1x128x128xf32, #tpu.memory_space<vmem>> -> memref<128x128xf32, #tpu.memory_space<vmem>>
    tpu.enqueue_dma source(%dma_start3A_220 : memref<128x128xf32, #tpu.memory_space<vmem>>) target(%dma_start3A_216 : memref<128x128xf32, #tpu.memory_space<hbm>>) target_semaphore(%arg11 : memref<!tpu.dma_semaphore, #tpu.memory_space<semaphore_mem>>)
    %add3A_221 = arith.constant 384 : i32
    %add3A_222 = arith.addi %mul3A_8, %add3A_221 : i32
    %dma_wait3A_223 = arith.constant 1 : i32
    %dma_wait3A_224 = arith.constant 0 : i32
    %dma_wait3A_225 = arith.constant 0 : i32
    %dma_wait3A_226 = tpu.memref_slice %arg7[%dma_wait3A_223, %dma_wait3A_224, %dma_wait3A_225] : memref<2x128x128xf32, #tpu.memory_space<vmem>> -> memref<1x128x128xf32, #tpu.memory_space<vmem>>
    %dma_wait3A_227 = tpu.memref_squeeze %dma_wait3A_226 : memref<1x128x128xf32, #tpu.memory_space<vmem>> -> memref<128x128xf32, #tpu.memory_space<vmem>>
    %dma_wait3A_228 = arith.constant 0 : i32
    %dma_wait3A_229 = tpu.memref_slice %arg4[%arg0, %add3A_222, %dma_wait3A_228] : memref<2x10240x128xf32, #tpu.memory_space<hbm>> -> memref<1x128x128xf32, #tpu.memory_space<hbm>>
    %dma_wait3A_230 = tpu.memref_squeeze %dma_wait3A_229 : memref<1x128x128xf32, #tpu.memory_space<hbm>> -> memref<128x128xf32, #tpu.memory_space<hbm>>
    %dma_wait3A_231 = arith.constant 0 : i32
    %dma_wait3A_232 = tpu.memref_slice %arg4[%arg0, %add3A_222, %dma_wait3A_231] : memref<2x10240x128xf32, #tpu.memory_space<hbm>> -> memref<1x128x128xf32, #tpu.memory_space<hbm>>
    %dma_wait3A_233 = tpu.memref_squeeze %dma_wait3A_232 : memref<1x128x128xf32, #tpu.memory_space<hbm>> -> memref<128x128xf32, #tpu.memory_space<hbm>>
    %dma_wait3A_234 = arith.constant 0 : i32
    %dma_wait3A_235 = arith.constant 0 : i32
    %dma_wait3A_236 = tpu.memref_slice %arg7[%dma_wait3A_223, %dma_wait3A_234, %dma_wait3A_235] : memref<2x128x128xf32, #tpu.memory_space<vmem>> -> memref<1x128x128xf32, #tpu.memory_space<vmem>>
    %dma_wait3A_237 = tpu.memref_squeeze %dma_wait3A_236 : memref<1x128x128xf32, #tpu.memory_space<vmem>> -> memref<128x128xf32, #tpu.memory_space<vmem>>
    tpu.wait_dma2 semaphore(%arg11 : memref<!tpu.dma_semaphore, #tpu.memory_space<semaphore_mem>>) src(%dma_wait3A_237 : memref<128x128xf32, #tpu.memory_space<vmem>>) dst(%dma_wait3A_233 : memref<128x128xf32, #tpu.memory_space<hbm>>)
    %add3A_238 = arith.constant 512 : i32
    %add3A_239 = arith.addi %mul3A_8, %add3A_238 : i32
    %dma_wait3A_240 = arith.constant 0 : i32
    %dma_wait3A_241 = arith.constant 0 : i32
    %dma_wait3A_242 = arith.constant 0 : i32
    %dma_wait3A_243 = tpu.memref_slice %arg7[%dma_wait3A_240, %dma_wait3A_241, %dma_wait3A_242] : memref<2x128x128xf32, #tpu.memory_space<vmem>> -> memref<1x128x128xf32, #tpu.memory_space<vmem>>
    %dma_wait3A_244 = tpu.memref_squeeze %dma_wait3A_243 : memref<1x128x128xf32, #tpu.memory_space<vmem>> -> memref<128x128xf32, #tpu.memory_space<vmem>>
    %dma_wait3A_245 = arith.constant 0 : i32
    %dma_wait3A_246 = tpu.memref_slice %arg4[%arg0, %add3A_239, %dma_wait3A_245] : memref<2x10240x128xf32, #tpu.memory_space<hbm>> -> memref<1x128x128xf32, #tpu.memory_space<hbm>>
    %dma_wait3A_247 = tpu.memref_squeeze %dma_wait3A_246 : memref<1x128x128xf32, #tpu.memory_space<hbm>> -> memref<128x128xf32, #tpu.memory_space<hbm>>
    %dma_wait3A_248 = arith.constant 0 : i32
    %dma_wait3A_249 = tpu.memref_slice %arg4[%arg0, %add3A_239, %dma_wait3A_248] : memref<2x10240x128xf32, #tpu.memory_space<hbm>> -> memref<1x128x128xf32, #tpu.memory_space<hbm>>
    %dma_wait3A_250 = tpu.memref_squeeze %dma_wait3A_249 : memref<1x128x128xf32, #tpu.memory_space<hbm>> -> memref<128x128xf32, #tpu.memory_space<hbm>>
    %dma_wait3A_251 = arith.constant 0 : i32
    %dma_wait3A_252 = arith.constant 0 : i32
    %dma_wait3A_253 = tpu.memref_slice %arg7[%dma_wait3A_240, %dma_wait3A_251, %dma_wait3A_252] : memref<2x128x128xf32, #tpu.memory_space<vmem>> -> memref<1x128x128xf32, #tpu.memory_space<vmem>>
    %dma_wait3A_254 = tpu.memref_squeeze %dma_wait3A_253 : memref<1x128x128xf32, #tpu.memory_space<vmem>> -> memref<128x128xf32, #tpu.memory_space<vmem>>
    tpu.wait_dma2 semaphore(%arg11 : memref<!tpu.dma_semaphore, #tpu.memory_space<semaphore_mem>>) src(%dma_wait3A_254 : memref<128x128xf32, #tpu.memory_space<vmem>>) dst(%dma_wait3A_250 : memref<128x128xf32, #tpu.memory_space<hbm>>)
    return
  }
}

module attributes {stable_mosaic.version = 14 : i64} {
  func.func @_finish_body(%arg0: memref<2x10240x128xf32, #tpu.memory_space<vmem>>, %arg1: memref<80x128xf32, #tpu.memory_space<vmem>>, %arg2: memref<10000x128xf32, #tpu.memory_space<vmem>>) attributes {dimension_semantics = [], scalar_prefetch = 0 : i64, scratch_operands = 0 : i64, tpu.core_type = #tpu.core_type<tc>} {
    %get3A = arith.constant 0 : index
    %get3A_0 = arith.constant 0 : index
    %get3A_1 = arith.constant 0 : index
    %get3A_2 = vector.load %arg0[%get3A, %get3A_0, %get3A_1] : memref<2x10240x128xf32, #tpu.memory_space<vmem>>, vector<1x10000x128xf32>
    %get3A_3 = vector.shape_cast %get3A_2 : vector<1x10000x128xf32> to vector<10000x128xf32>
    %get3A_4 = arith.constant 1 : index
    %get3A_5 = arith.constant 0 : index
    %get3A_6 = arith.constant 0 : index
    %get3A_7 = vector.load %arg0[%get3A_4, %get3A_5, %get3A_6] : memref<2x10240x128xf32, #tpu.memory_space<vmem>>, vector<1x10000x128xf32>
    %get3A_8 = vector.shape_cast %get3A_7 : vector<1x10000x128xf32> to vector<10000x128xf32>
    %add3A = arith.addf %get3A_3, %get3A_8 : vector<10000x128xf32>
    %get3A_9 = arith.constant 0 : index
    %get3A_10 = arith.constant 0 : index
    %get3A_11 = vector.load %arg1[%get3A_9, %get3A_10] : memref<80x128xf32, #tpu.memory_space<vmem>>, vector<80x128xf32>
    %reshape3A = vector.shape_cast %get3A_11 : vector<80x128xf32> to vector<10240xf32>
    %slice3A = vector.extract_strided_slice %reshape3A {offsets = [0], sizes = [10000], strides = [1]} : vector<10240xf32> to vector<10000xf32>
    %broadcast_in_dim3A = vector.shape_cast %slice3A : vector<10000xf32> to vector<10000x1xf32>
    %mul3A = vector.broadcast %broadcast_in_dim3A : vector<10000x1xf32> to vector<10000x128xf32>
    %mul3A_12 = arith.mulf %add3A, %mul3A : vector<10000x128xf32>
    %swap3A = arith.constant 0 : index
    %swap3A_13 = arith.constant 0 : index
    %swap3A_14 = vector.load %arg2[%swap3A, %swap3A_13] : memref<10000x128xf32, #tpu.memory_space<vmem>>, vector<10000x128xf32>
    tpu.vector_store %arg2[%swap3A, %swap3A_13], %mul3A_12 {strides = array<i32>} : memref<10000x128xf32, #tpu.memory_space<vmem>>, vector<10000x128xf32>,
    return
  }
}

module attributes {stable_mosaic.version = 14 : i64} {
  func.func @_prep_body(%arg0: memref<2x80x128xf32, #tpu.memory_space<vmem>>, %arg1: memref<2x80x128xf32, #tpu.memory_space<vmem>>, %arg2: memref<10000x128xf32, #tpu.memory_space<vmem>>, %arg3: memref<10240x128xf32, #tpu.memory_space<vmem>>, %arg4: memref<80x128xf32, #tpu.memory_space<vmem>>) attributes {dimension_semantics = [], scalar_prefetch = 0 : i64, scratch_operands = 0 : i64, tpu.core_type = #tpu.core_type<tc>} {
    %get3A = arith.constant 0 : index
    %get3A_0 = arith.constant 0 : index
    %get3A_1 = arith.constant 0 : index
    %get3A_2 = vector.load %arg0[%get3A, %get3A_0, %get3A_1] : memref<2x80x128xf32, #tpu.memory_space<vmem>>, vector<1x80x128xf32>
    %get3A_3 = vector.shape_cast %get3A_2 : vector<1x80x128xf32> to vector<80x128xf32>
    %get3A_4 = arith.constant 1 : index
    %get3A_5 = arith.constant 0 : index
    %get3A_6 = arith.constant 0 : index
    %get3A_7 = vector.load %arg0[%get3A_4, %get3A_5, %get3A_6] : memref<2x80x128xf32, #tpu.memory_space<vmem>>, vector<1x80x128xf32>
    %get3A_8 = vector.shape_cast %get3A_7 : vector<1x80x128xf32> to vector<80x128xf32>
    %add3A = arith.addf %get3A_3, %get3A_8 : vector<80x128xf32>
    %get3A_9 = arith.constant 0 : index
    %get3A_10 = arith.constant 0 : index
    %get3A_11 = arith.constant 0 : index
    %get3A_12 = vector.load %arg1[%get3A_9, %get3A_10, %get3A_11] : memref<2x80x128xf32, #tpu.memory_space<vmem>>, vector<1x80x128xf32>
    %get3A_13 = vector.shape_cast %get3A_12 : vector<1x80x128xf32> to vector<80x128xf32>
    %get3A_14 = arith.constant 1 : index
    %get3A_15 = arith.constant 0 : index
    %get3A_16 = arith.constant 0 : index
    %get3A_17 = vector.load %arg1[%get3A_14, %get3A_15, %get3A_16] : memref<2x80x128xf32, #tpu.memory_space<vmem>>, vector<1x80x128xf32>
    %get3A_18 = vector.shape_cast %get3A_17 : vector<1x80x128xf32> to vector<80x128xf32>
    %add3A_19 = arith.addf %get3A_13, %get3A_18 : vector<80x128xf32>
    %max3A = arith.constant 1.000000e+00 : f32
    %max3A_20 = vector.broadcast %max3A : f32 to vector<80x128xf32>
    %max3A_21 = arith.maximumf %add3A, %max3A_20 : vector<80x128xf32>
    %rsqrt3A = math.rsqrt %max3A_21 : vector<80x128xf32>
    %swap3A = arith.constant 0 : index
    %swap3A_22 = arith.constant 0 : index
    %swap3A_23 = vector.load %arg4[%swap3A, %swap3A_22] : memref<80x128xf32, #tpu.memory_space<vmem>>, vector<80x128xf32>
    tpu.vector_store %arg4[%swap3A, %swap3A_22], %rsqrt3A {strides = array<i32>} : memref<80x128xf32, #tpu.memory_space<vmem>>, vector<80x128xf32>,
    %max3A_24 = arith.constant 1.000000e+00 : f32
    %max3A_25 = vector.broadcast %max3A_24 : f32 to vector<80x128xf32>
    %max3A_26 = arith.maximumf %add3A_19, %max3A_25 : vector<80x128xf32>
    %rsqrt3A_27 = math.rsqrt %max3A_26 : vector<80x128xf32>
    %reshape3A = vector.shape_cast %rsqrt3A_27 : vector<80x128xf32> to vector<10240xf32>
    %slice3A = vector.extract_strided_slice %reshape3A {offsets = [0], sizes = [10000], strides = [1]} : vector<10240xf32> to vector<10000xf32>
    %get3A_28 = arith.constant 0 : index
    %get3A_29 = arith.constant 0 : index
    %get3A_30 = vector.load %arg2[%get3A_28, %get3A_29] : memref<10000x128xf32, #tpu.memory_space<vmem>>, vector<10000x128xf32>
    %broadcast_in_dim3A = vector.shape_cast %slice3A : vector<10000xf32> to vector<10000x1xf32>
    %mul3A = vector.broadcast %broadcast_in_dim3A : vector<10000x1xf32> to vector<10000x128xf32>
    %mul3A_31 = arith.mulf %get3A_30, %mul3A : vector<10000x128xf32>
    %swap3A_32 = arith.constant 0 : index
    %swap3A_33 = arith.constant 0 : index
    %swap3A_34 = vector.load %arg3[%swap3A_32, %swap3A_33] : memref<10240x128xf32, #tpu.memory_space<vmem>>, vector<10000x128xf32>
    tpu.vector_store %arg3[%swap3A_32, %swap3A_33], %mul3A_31 {strides = array<i32>} : memref<10240x128xf32, #tpu.memory_space<vmem>>, vector<10000x128xf32>,
    %broadcast_in_dim3A_35 = arith.constant 0.000000e+00 : f32
    %broadcast_in_dim3A_36 = vector.broadcast %broadcast_in_dim3A_35 : f32 to vector<240x128xf32>
    %swap3A_37 = arith.constant 10000 : index
    %swap3A_38 = arith.constant 0 : index
    %swap3A_39 = vector.load %arg3[%swap3A_37, %swap3A_38] : memref<10240x128xf32, #tpu.memory_space<vmem>>, vector<240x128xf32>
    tpu.vector_store %arg3[%swap3A_37, %swap3A_38], %broadcast_in_dim3A_36 {strides = array<i32>} : memref<10240x128xf32, #tpu.memory_space<vmem>>, vector<240x128xf32>,
    return
  }
}

</mosaic_0001>

<sc_bundles>
// kernel: kernel.6.cloned.1.call-start
scs
__scs_entry_jumppad:
0x0: {  	(pc) =	sbr.rel $0x88, $3  }
0x1: {  	(tag) =	ssettag $0x0;
	lr =	simm.s32 $0x1  }
0x2: {  	[smem:$0x3F9F] =	sst lr;
	_ =	strace $0xD0000000  }
0x3: {  	_ = 	snop  }
0x4: {  	_ = 	snop  }
0x5: {  	_ = 	snop  }
0x6: {  	_ = 	snop  }
0x7: {  	_ = 	snop  }
__scs_overlays_trampoline_lowered:
0x8: {  	[smem:$0x3FAE] =	sst s0  }
0x9: {  	[smem:$0x3FAF] =	sst s1  }
0xa: {  	[smem:$0x3FB0] =	sst s2  }
0xb: {  	[smem:$0x3FB1] =	sst s3  }
0xc: {  	[smem:$0x3FB2] =	sst s4  }
0xd: {  	[smem:$0x3FB3] =	sst s5  }
0xe: {  	[smem:$0x3FB4] =	sst s6  }
0xf: {  	[smem:$0x3FB5] =	sst s7  }
0x10: {  	[smem:$0x3FB6] =	sst s8  }
0x11: {  	[smem:$0x3FB7] =	sst s9;
	s0 =	simm.s32 @!p0 $0x0  }
0x12: {  	s1 =	sld [smem:$0x3F9D];
	s0 =	simm.s32 @p0 $0x1  }
0x13: {  	[smem:$0x3FB8] =	sst s0;
	s0 =	simm.s32 @!p1 $0x0  }
0x14: {  	s2 =	sld [smem:$0x3F9C];
	s0 =	simm.s32 @p1 $0x1  }
0x15: {  	[smem:$0x3FB9] =	sst s0;
	s0 =	simm.s32 @!p2 $0x0  }
0x16: {  	s3 =	sld [smem:$0x3FDB];
	s0 =	simm.s32 @p2 $0x1  }
0x17: {  	s4 =	simm.s32 $0x1BF5;
	[smem:$0x3FBB] =	sst s0  }
0x18: {  	s0 =	sld [smem:$0x3F9E];
	_ =	swait.ge [sflag:s4], $0x0  }
0x19: {  	s7 =	sld [smem:$0x3F9F]  }
0x1a: {  	s8 =	sadd.s32 $0xFFFFE003, lr  }
0x1b: {  	s9 =	sadd.s32 $0xFFFFFEF7, lr;
	s5 =	simm.s32 $0xFFFFFFFF;
	p2 =	slt.u32 s8, $0xFFFFF086  }
0x1c: {  	p1 =	slt.u32 s9, $0xF7A;
	s5 =	simm.s32 @!p2 $0x0  }
0x1d: {  	s5 =	simm.s32 @p1 $0x1;
	p0 =	seq.s32 s7, s2  }
0x1e: {  	s7 =	smul.u32 @!p0 $0xF7A, s2;
	p2 =	seq.s32 @!p0 s5, $0x0  }
0x1f: {  	s9 =	smul.u32 $0xF7A, s1;
	s8 =	simm.s32 @!p0 $0x1BF5;
	p2 =	por !p2, p0  }
0x20: {  	[sflag:s8] =	ssyncset.s32 @!p0 $0xFFFFF086;
	s6 =	sadd.s32 @!p0 s3, s7;
	s7 =	simm.s32 @!p0 $0x108  }
0x21: {  	s3 =	sadd.s32 s3, s9;
	s6 =	sadd.s32 @!p0 $0x88, s6;
	s7 =	simm.s32 @p2 $0x1082  }
0x22: {  	[simem:s7], [sflag:s8] =	dma.local @!p0 [hbm:s6], $0xF7A  }
0x23: {  	s9 =	sor.u32 $0xD0000000, s2;
	s6 =	simm.s32 $0x108;
	_ =	swait.ge @!p0 [sflag:s8], $0x0  }
0x24: {  	s3 =	sadd.s32 $0x88, s3;
	s6 =	simm.s32 @!p1 $0x1082;
	[sflag:s4] =	ssyncset.s32 $0xFFFFF086  }
0x25: {  	[simem:s6], [sflag:s4] =	dma.local [hbm:s3], $0xF7A  }
0x26: {  	[smem:$0x3F9F] =	sst s1;
	(tag) =	ssettag s2;
	_ =	strace s9  }
0x27: {  	s1 =	sld [smem:$0x3FAF]  }
0x28: {  	s2 =	sld [smem:$0x3FB0]  }
0x29: {  	s4 =	sld [smem:$0x3FB2]  }
0x2a: {  	p0 =	seq.s32 s5, $0x0;
	s5 =	sld [smem:$0x3FB3]  }
0x2b: {  	s6 =	sld [smem:$0x3FB4]  }
0x2c: {  	s7 =	sld [smem:$0x3FB5]  }
0x2d: {  	s3 =	simm.s32 $0x108;
	s8 =	sld [smem:$0x3FB6]  }
0x2e: {  	s3 =	simm.s32 @!p0 $0x1082;
	s9 =	sld [smem:$0x3FB7]  }
0x2f: {  	lr =	sadd.s32 s0, s3;
	s0 =	sld [smem:$0x3FAE]  }
0x30: {  	s3 =	sld [smem:$0x3FB1]  }
0x31: {  	[smem:$0x3FBA] =	sst s10  }
0x32: {  	s10 =	sld [smem:$0x3FB8];
	_ =	sdelay $0x3  }
0x33: {  	p0 =	seq.s32 s10, $0x1;
	s10 =	sld [smem:$0x3FBA];
	_ =	sdelay $0x3  }
0x34: {  	[smem:$0x3FBA] =	sst s10  }
0x35: {  	s10 =	sld [smem:$0x3FB9];
	_ =	sdelay $0x3  }
0x36: {  	p1 =	seq.s32 s10, $0x1;
	s10 =	sld [smem:$0x3FBA];
	_ =	sdelay $0x3  }
0x37: {  	[smem:$0x3FBA] =	sst s10  }
0x38: {  	s10 =	sld [smem:$0x3FBB]  }
0x39: {  	_ = 	snop;
	(pc) =	sbr.ind lr, $3  }
0x3a: {  	_ = 	snop  }
0x3b: {  	_ = 	snop  }
0x3c: {  	p2 =	seq.s32 s10, $0x1;
	s10 =	sld [smem:$0x3FBA]  }
0x3d: {  	_ =	shalt  }
0x3e: {  	_ =	shalt  }
0x3f: {  	_ =	shalt  }
0x40: {  	_ =	shalt  }
0x41: {  	_ =	shalt  }
0x42: {  	_ =	shalt  }
0x43: {  	_ =	shalt  }
0x44: {  	_ =	shalt  }
0x45: {  	_ =	shalt  }
0x46: {  	_ =	shalt  }
0x47: {  	_ =	shalt  }
0x48: {  	_ =	shalt  }
0x49: {  	_ =	shalt  }
0x4a: {  	_ =	shalt  }
0x4b: {  	_ =	shalt  }
0x4c: {  	_ =	shalt  }
0x4d: {  	_ =	shalt  }
0x4e: {  	_ =	shalt  }
0x4f: {  	_ =	shalt  }
0x50: {  	_ =	shalt  }
0x51: {  	_ =	shalt  }
0x52: {  	_ =	shalt  }
0x53: {  	_ =	shalt  }
0x54: {  	_ =	shalt  }
0x55: {  	_ =	shalt  }
0x56: {  	_ =	shalt  }
0x57: {  	_ =	shalt  }
0x58: {  	_ =	shalt  }
0x59: {  	_ =	shalt  }
0x5a: {  	_ =	shalt  }
0x5b: {  	_ =	shalt  }
0x5c: {  	_ =	shalt  }
0x5d: {  	_ =	shalt  }
0x5e: {  	_ =	shalt  }
0x5f: {  	_ =	shalt  }
0x60: {  	_ =	shalt  }
0x61: {  	_ =	shalt  }
0x62: {  	_ =	shalt  }
0x63: {  	_ =	shalt  }
0x64: {  	_ =	shalt  }
0x65: {  	_ =	shalt  }
0x66: {  	_ =	shalt  }
0x67: {  	_ =	shalt  }
0x68: {  	_ =	shalt  }
0x69: {  	_ =	shalt  }
0x6a: {  	_ =	shalt  }
0x6b: {  	_ =	shalt  }
0x6c: {  	_ =	shalt  }
0x6d: {  	_ =	shalt  }
0x6e: {  	_ =	shalt  }
0x6f: {  	_ =	shalt  }
0x70: {  	_ =	shalt  }
0x71: {  	_ =	shalt  }
0x72: {  	_ =	shalt  }
0x73: {  	_ =	shalt  }
0x74: {  	_ =	shalt  }
0x75: {  	_ =	shalt  }
0x76: {  	_ =	shalt  }
0x77: {  	_ =	shalt  }
0x78: {  	_ =	shalt  }
0x79: {  	_ =	shalt  }
0x7a: {  	_ =	shalt  }
0x7b: {  	_ =	shalt  }
0x7c: {  	_ =	shalt  }
0x7d: {  	_ =	shalt  }
0x7e: {  	_ =	shalt  }
0x7f: {  	_ =	shalt  }
0x80: {  	_ =	shalt  }
0x81: {  	_ =	shalt  }
0x82: {  	_ =	shalt  }
0x83: {  	_ =	shalt  }
0x84: {  	_ =	shalt  }
0x85: {  	_ =	shalt  }
0x86: {  	_ =	shalt  }
0x87: {  	_ =	shalt  }
.Lfunc_end0:
.L_simem_size_0:
called_computation_lowered:
.L_overlay_start_0:
0x88: {  	s2 =	sld [smem:$0x3FD9]  }
0x89: {  	s3 =	sld [smem:$0x3FFE];
	_ =	sdelay $0x1  }
0x8a: {  	s1 =	srdreg.scid  }
0x8b: {  	s0 =	sand.u32 $0x1, s1  }
0x8c: {  	s17 =	sshll.u32 s0, $0xA;
	s2 =	sadd.s32 s3, s2  }
0x8d: {  	s2 =	sadd.s32 s2, s17  }
0x8e: {  	[smem:$0x3FC6] =	sst s2  }
0x8f: {  	_ = 	snop  }
0x90: {  	s2 =	sld [smem:$0x3FD0];
	(tm) =	ssettm $0x1  }
0x91: {  	s18 =	sld [smem:$0x3FFB];
	_ =	sdelay $0x3  }
0x92: {  	_ =	strace s18  }
0x93: {  	s3 =	sld [smem:$0x3FFC];
	_ =	sdelay $0x3  }
0x94: {  	_ =	strace s3  }
0x95: {  	s3 =	sld [smem:$0x3FFD];
	_ =	sdelay $0x3  }
0x96: {  	_ =	strace s3  }
0x97: {  	_ =	strace $0x8FFFFFFF  }
0x98: {  	s19 =	sld [smem:$0x3FDB];
	_ =	sdelay $0x1  }
0x99: {  	s4 =	simm.s32 $_scs_section_size  }
0x9a: {  	s5 =	simm.s32 $_size__tile_overlayer_lowered;
	s6 =	simm.s32 $_tile_overlayer_lowered  }
0x9b: {  	s22 =	simm.s32 $0x1BFF;
	s21 =	sshll.u32 s6, $0x1;
	s3 =	sadd.s32 s4, s19  }
0x9c: {  	s7 =	simm.s32 $0x0;
	s20 =	sshll.u32 s5, $0x1;
	s5 =	sadd.s32 s21, s3  }
0x9d: {  	[timem:s7], [sflag:s22] =	dma.local [hbm:s5], s20  }
0x9e: {  	_ =	swait.ge [sflag:s22], s20  }
0x9f: {  	s4 =	ssub.s32 $0x0, s20;
	[sflag:s22] =	ssyncset.done $0x0  }
0xa0: {  	[sflag:s22] =	ssyncadd.s32 s4;
	_ =	sdelay $0x1  }
0xa1: {  	s23 =	simm.s32 $0x1B8B  }
0xa2: {  	_ =	swait.ge [sflag:s23], $0x1  }
0xa3: {  	[sflag:s23] =	ssyncset.done $0x0  }
0xa4: {  	s25 =	simm.s32 $0x1B8E;
	s24 =	sld [smem:$0x3FFE];
	[sflag:s23] =	ssyncadd.s32 $0xFFFFFFFF  }
0xa5: {  	s26 =	simm.s32 $execute0_lowered;
	[smem:$0x3FD2] =	sst s25  }
0xa6: {  	s5 =	sshll.u32 s26, $0x1;
	_ =	strace $0x80000046;
	[dreg:$0x1] =	wrdreg $0xFFFFFFFF  }
0xa7: {  	s28 =	simm.s32 $_size_execute0_lowered;
	s3 =	sadd.s32 s3, s5;
	[dreg:$0x0] =	wrdreg $0x0  }
0xa8: {  	s5 =	sshll.u32 s28, $0x1;
	[dreg:$0x2] =	wrdreg s3  }
0xa9: {  	[dreg:$0x3] =	wrdreg s5  }
0xaa: {  	[dreg:$0x4] =	wrdreg $0xC0  }
0xab: {  	_ =	task [dreg:s7], $0x5FFFF  }
0xac: {  	[dreg:$0x1] =	wrdreg $0xFFFFFFFF  }
0xad: {  	[dreg:$0x0] =	wrdreg $0x60  }
0xae: {  	[dreg:$0x2] =	wrdreg s2  }
0xaf: {  	[dreg:$0x3] =	wrdreg s24  }
0xb0: {  	[dreg:$0x4] =	wrdreg $0x53000  }
0xb1: {  	[dreg:$0x5] =	wrdreg $0x55800  }
0xb2: {  	[dreg:$0x6] =	wrdreg $0x9  }
0xb3: {  	_ =	task.clear_ibuf [dreg:s7], $0x7FFFF;
	_ =	strace $0x90000046  }
0xb4: {  	s29 =	simm.s32 $0x9;
	_ =	strace $0x80000048  }
0xb5: {  	_ =	swait.ge [sflag:s29], $0x1  }
0xb6: {  	[sflag:s29] =	ssyncadd.s32 $0xFFFFFFFF  }
0xb7: {  	_ =	strace $0x90000048  }
0xb8: {  	_ =	sfence  }
0xb9: {  	s30 =	sld [smem:$0x0];
	_ =	sdelay $0x2  }
0xba: {  	s31 =	sshll.u32 s1, $0xD;
	s1 =	sshrl.u32 s1, $0x2  }
0xbb: {  	s3 =	sand.u32 $0x4000, s31;
	s1 =	sadd.s32 s1, s30  }
0xbc: {  	s0 =	sor.u32 s3, s0;
	s1 =	sshll.u32 s1, $0x11  }
0xbd: {  	s0 =	sor.u32 s1, s0  }
0xbe: {  	s0 =	sadd.s32 $0x8F2B, s0  }
0xbf: {  	[sflag:s0] =	ssyncadd.remote.s32 $0x1  }
0xc0: {  	_ =	sfence.sel $0xFFFF  }
0xc1: {  	[dreg:$0x0] =	wrdreg $0xFFFFFFFF;
	(pc) =	sbr.abs _section_cstart, $3  }
0xc2: {  	[dreg:$0x1] =	wrdreg $0xFFFFFFFF  }
0xc3: {  	_ =	task.clear_ibuf [dreg:s7], $0x2FFFF;
	_ =	strace $0x9FFFFFFF  }
0xc4: {  	(tm) =	ssettm $0x7FFFFFFF  }
0xc5: {  	_ =	shalt  }
tec
execute0_lowered:
.L_overlay_start_1:
0x0: {  	(tag) =	ssettag $0x1  }
0x1: {  	s5 =	rddreg [dreg:$0x0]  }
0x2: {  	s6 =	rddreg [dreg:$0x1]  }
0x3: {  	s2 =	rddreg [dreg:$0x2]  }
0x4: {  	s3 =	rddreg [dreg:$0x3];
	s4 =	srdreg.scid  }
0x5: {  	s0 =	rddreg [dreg:$0x4];
	s1 =	stileid.u32;
	s14 =	simm.s32 $0x5080  }
0x6: {  	s15 =	simm.s32 $0x2;
	s16 =	simm.s32 $0x1400;
	s17 =	simm.s32 $0x2800  }
0x7: {  	s18 =	simm.s32 $0x3C00;
	s19 =	simm.s32 $0x80;
	s20 =	simm.s32 $0x5000  }
0x8: {  	s21 =	simm.s32 $0x1;
	s22 =	simm.s32 $0x100;
	s23 =	simm.s32 $0x0  }
0x9: {  	s7 =	sand.u32 $0x1, s4;
	s8 =	smul.u32 $0x500, s1;
	s10 =	sshll.u32 s1, $0x1  }
0xa: {  	s4 =	simm.s32 $0x0;
	s31 =	smul.u32 $0x280, s1;
	s9 =	sshll.u32 s7, $0x5  }
0xb: {  	s11 =	sshll.u32 s7, $0x7;
	[smem:$0x7FF] =	sst s4;
	s7 =	ssub.s32 $0x2, s7  }
0xc: {  	s9 =	sor.u32 s10, s9;
	s8 =	sor.u32 s11, s8;
	_ =	strace $0x80000047  }
0xd: {  	s30 =	sshrl.u32 s7, $0x1;
	s9 =	smul.u32 $0x1400, s9;
	s8 =	sshrl.u32 s8, $0x3  }
0xe: {  	s13 =	ssub.s32 s7, s30;
	s7 =	sadd.s32 s31, s3;
	s12 =	sadd.s32 s8, s6  }
0xf: {  	s6 =	sadd.s32 s31, s2;
	s13 =	smax.u32 s13, $0x1;
	s9 =	sshrl.u32 s9, $0x3  }
0x10: {  	s11 =	sadd.s32 $0x1C00, s12;
	s12 =	sadd.s32 $0x2600, s12;
	s5 =	sadd.s32 s5, s9  }
0x11: {  	v0 =	vimm.f32 $0.0e+00;
	v1 =	vimm.f32 $1.000000000e+00;
	s8 =	sadd.s32 $0x280, s5;
	s9 =	sadd.s32 $0xA000, s5;
	s10 =	sadd.s32 $0xA280, s5  }
.LBB2_1:
0x12: {  	[tilespmem:$0x5080] =	vst v0  }
0x13: {  	[tilespmem:$0x5090] =	vst v0  }
0x14: {  	[tilespmem:$0x50A0] =	vst v0  }
0x15: {  	[tilespmem:$0x50B0] =	vst v0  }
0x16: {  	[tilespmem:$0x50C0] =	vst v0  }
0x17: {  	[tilespmem:$0x50D0] =	vst v0  }
0x18: {  	[tilespmem:$0x50E0] =	vst v0  }
0x19: {  	[tilespmem:$0x50F0] =	vst v0  }
0x1a: {  	[tilespmem:$0x5100] =	vst v0  }
0x1b: {  	[tilespmem:$0x5110] =	vst v0  }
0x1c: {  	[tilespmem:$0x5120] =	vst v0  }
0x1d: {  	[tilespmem:$0x5130] =	vst v0  }
0x1e: {  	[tilespmem:$0x5140] =	vst v0  }
0x1f: {  	[tilespmem:$0x5150] =	vst v0  }
0x20: {  	[tilespmem:$0x5160] =	vst v0  }
0x21: {  	[tilespmem:$0x5170] =	vst v0  }
0x22: {  	[tilespmem:$0x5180] =	vst v0  }
0x23: {  	[tilespmem:$0x5190] =	vst v0  }
0x24: {  	[tilespmem:$0x51A0] =	vst v0  }
0x25: {  	[tilespmem:$0x51B0] =	vst v0  }
0x26: {  	[tilespmem:$0x51C0] =	vst v0  }
0x27: {  	[tilespmem:$0x51D0] =	vst v0  }
0x28: {  	[tilespmem:$0x51E0] =	vst v0  }
0x29: {  	[tilespmem:$0x51F0] =	vst v0  }
0x2a: {  	[tilespmem:$0x5200] =	vst v0  }
0x2b: {  	[tilespmem:$0x5210] =	vst v0  }
0x2c: {  	[tilespmem:$0x5220] =	vst v0  }
0x2d: {  	[tilespmem:$0x5230] =	vst v0  }
0x2e: {  	[tilespmem:$0x5240] =	vst v0  }
0x2f: {  	[tilespmem:$0x5250] =	vst v0  }
0x30: {  	[tilespmem:$0x5260] =	vst v0  }
0x31: {  	[tilespmem:$0x5270] =	vst v0  }
0x32: {  	[tilespmem:$0x5280] =	vst v0  }
0x33: {  	[tilespmem:$0x5290] =	vst v0  }
0x34: {  	[tilespmem:$0x52A0] =	vst v0  }
0x35: {  	[tilespmem:$0x52B0] =	vst v0  }
0x36: {  	[tilespmem:$0x52C0] =	vst v0  }
0x37: {  	[tilespmem:$0x52D0] =	vst v0  }
0x38: {  	[tilespmem:$0x52E0] =	vst v0  }
0x39: {  	[tilespmem:$0x52F0] =	vst v0  }
0x3a: {  	[tilespmem:$0x5000] =	vst v1  }
0x3b: {  	[tilespmem:$0x5010] =	vst v1  }
0x3c: {  	[tilespmem:$0x5020] =	vst v1  }
0x3d: {  	[tilespmem:$0x5030] =	vst v1  }
0x3e: {  	[tilespmem:$0x5040] =	vst v1  }
0x3f: {  	[tilespmem:$0x5050] =	vst v1  }
0x40: {  	[tilespmem:$0x5060] =	vst v1  }
0x41: {  	[tilespmem:$0x5070] =	vst v1  }
0x42: {  	[spmem:s6] =	stream.linear.scatter [tilespmem:s14], [sflag:$0x2], $0x280, $0x38;
	[tilespmem:$0x5800] =	vst v63  }
0x43: {  	_ =	swait.ge [sflag:s15], $0x280  }
0x44: {  	[sflag:s15] =	ssyncset.done $0x0  }
0x45: {  	[sflag:s15] =	ssyncadd.s32 $0xFFFFFD80  }
0x46: {  	[spmem:s7] =	stream.linear.scatter [tilespmem:s14], [sflag:$0x2], $0x280, $0x38;
	[tilespmem:$0x5800] =	vst v63  }
0x47: {  	_ =	swait.ge [sflag:s15], $0x280  }
0x48: {  	[sflag:s15] =	ssyncset.done $0x0  }
0x49: {  	[sflag:s15] =	ssyncadd.s32 $0xFFFFFD80  }
0x4a: {  	[tilespmem:s4], [sflag:$0x2] =	stream.linear.gather [hbm4b:s5+s4], $0x1400, $0x38;
	[tilespmem:$0x5800] =	vst v63  }
0x4b: {  	_ =	swait.ge [sflag:s15], $0x1400  }
0x4c: {  	[sflag:s15] =	ssyncset.done $0x0  }
0x4d: {  	[sflag:s15] =	ssyncadd.s32 $0xFFFFEC00  }
0x4e: {  	[tilespmem:s16], [sflag:$0x2] =	stream.linear.gather [hbm4b:s8+s4], $0x1400, $0x38;
	[tilespmem:$0x5800] =	vst v63  }
0x4f: {  	_ =	swait.ge [sflag:s15], $0x1400  }
0x50: {  	[sflag:s15] =	ssyncset.done $0x0  }
0x51: {  	[sflag:s15] =	ssyncadd.s32 $0xFFFFEC00  }
0x52: {  	[tilespmem:s17], [sflag:$0x2] =	stream.linear.gather [hbm4b:s9+s4], $0x1400, $0x38;
	[tilespmem:$0x5800] =	vst v63  }
0x53: {  	_ =	swait.ge [sflag:s15], $0x1400  }
0x54: {  	[sflag:s15] =	ssyncset.done $0x0  }
0x55: {  	[sflag:s15] =	ssyncadd.s32 $0xFFFFEC00  }
0x56: {  	[tilespmem:s18], [sflag:$0x2] =	stream.linear.gather [hbm4b:s10+s4], $0x1400, $0x38;
	[tilespmem:$0x5800] =	vst v63  }
0x57: {  	_ =	swait.ge [sflag:s15], $0x1400  }
0x58: {  	[sflag:s15] =	ssyncset.done $0x0  }
0x59: {  	[sflag:s15] =	ssyncadd.s32 $0xFFFFEC00  }
0x5a: {  	[bflag:$0x0] =	sbarrier.arrive $0xFFFF  }
0x5b: {  	[spmem:s2] =	stream.indirect.scatter.add.f32 [tilespmem:s20], [sflag:$0x1], $0x1, s4, s19, $0xb8;
	[tilespmem:$0x5800] =	vst v63  }
0x5c: {  	_ = 	snop  }
0x5d: {  	[spmem:s3] =	stream.indirect.scatter.add.f32 [tilespmem:s20], [sflag:$0x1], $0x1, s17, s19, $0xb8;
	[tilespmem:$0x5800] =	vst v63  }
0x5e: {  	s24 =	simm.s32 $0x80  }
0x5f: {  	[spmem:s2] =	stream.indirect.scatter.add.f32 [tilespmem:s20], [sflag:$0x1], $0x1, s24, s19, $0xb8;
	[tilespmem:$0x5800] =	vst v63  }
0x60: {  	s31 =	simm.s32 $0x2880  }
0x61: {  	[spmem:s3] =	stream.indirect.scatter.add.f32 [tilespmem:s20], [sflag:$0x1], $0x1, s31, s19, $0xb8;
	[tilespmem:$0x5800] =	vst v63  }
0x62: {  	_ =	swait.ge [sflag:s21], $0x80  }
0x63: {  	[sflag:s21] =	ssyncset.done $0x0  }
0x64: {  	[sflag:s21] =	ssyncadd.s32 $0xFFFFFF80  }
0x65: {  	_ =	swait.ge [sflag:s21], $0x80  }
0x66: {  	s25 =	simm.s32 $0x600;
	s24 =	simm.s32 $0x400;
	[sflag:s21] =	ssyncset.done $0x0  }
.LBB2_2:
0x67: {  	s26 =	sshra.s32 s24, $0x2  }
0x68: {  	[sflag:s21] =	ssyncadd.s32 $0xFFFFFF80;
	s24 =	smov.u32 s25;
	s28 =	sadd.s32 $0x200, s25  }
0x69: {  	[spmem:s2] =	stream.indirect.scatter.add.f32 [tilespmem:s20], [sflag:$0x1], $0x1, s26, s19, $0xb8;
	[tilespmem:$0x5800] =	vst v63  }
0x6a: {  	p0 =	sne.s32 s25, $0x9E00;
	s25 =	sadd.s32 $0x2800, s26  }
0x6b: {  	[spmem:s3] =	stream.indirect.scatter.add.f32 [tilespmem:s20], [sflag:$0x1], $0x1, s25, s19, $0xb8;
	[tilespmem:$0x5800] =	vst v63  }
.Ltmp0:
0x6c: {  	_ =	swait.ge [sflag:s21], $0x80;
	(pc) =	sbr.rel @p0 .LBB2_2-.Ltmp0, $4  }
0x6d: {  	[sflag:s21] =	ssyncset.done $0x0  }
0x6e: {  	[sflag:s21] =	ssyncadd.s32 $0xFFFFFF80  }
0x6f: {  	_ =	swait.ge [sflag:s21], $0x80  }
0x70: {  	s25 =	smov.u32 s28;
	[sflag:s21] =	ssyncset.done $0x0  }
0x71: {  	s24 =	sshra.s32 s24, $0x2;
	[sflag:s21] =	ssyncadd.s32 $0xFFFFFF80  }
0x72: {  	[spmem:s2] =	stream.indirect.scatter.add.f32 [tilespmem:s20], [sflag:$0x1], $0x1, s24, s19, $0xb8;
	[tilespmem:$0x5800] =	vst v63  }
0x73: {  	s24 =	sadd.s32 $0x2800, s24  }
0x74: {  	[spmem:s3] =	stream.indirect.scatter.add.f32 [tilespmem:s20], [sflag:$0x1], $0x1, s24, s19, $0xb8;
	[tilespmem:$0x5800] =	vst v63  }
0x75: {  	_ =	swait.ge [sflag:s21], $0x80  }
0x76: {  	[sflag:s21] =	ssyncset.done $0x0  }
0x77: {  	[sflag:s21] =	ssyncadd.s32 $0xFFFFFF80  }
0x78: {  	_ =	swait.ge [sflag:s21], $0x80  }
0x79: {  	[sflag:s21] =	ssyncset.done $0x0  }
0x7a: {  	[sflag:s21] =	ssyncadd.s32 $0xFFFFFF80  }
0x7b: {  	_ =	swait.ge [sflag:s21], $0x80  }
0x7c: {  	[sflag:s21] =	ssyncset.done $0x0  }
0x7d: {  	[sflag:s21] =	ssyncadd.s32 $0xFFFFFF80  }
0x7e: {  	_ =	swait.ge [sflag:s21], $0x80  }
0x7f: {  	[sflag:s21] =	ssyncset.done $0x0  }
0x80: {  	[sflag:s21] =	ssyncadd.s32 $0xFFFFFF80  }
0x81: {  	[bflag:$0x0] =	sbarrier.arrive $0xFFFF  }
0x82: {  	[tilespmem:s14], [sflag:$0x2] =	stream.linear.gather [spmem:s6], $0x280, $0x38;
	[tilespmem:$0x5800] =	vst v63  }
0x83: {  	_ =	swait.ge [sflag:s15], $0x280  }
0x84: {  	[sflag:s15] =	ssyncset.done $0x0  }
0x85: {  	[sflag:s15] =	ssyncadd.s32 $0xFFFFFD80  }
0x86: {  	[hbm4b:s11+s19] =	stream.strided.scatter [tilespmem:s14], [sflag:$0x2], $0x280, s22, s19, $0x38;
	[tilespmem:$0x5800] =	vst v63  }
0x87: {  	_ =	swait.ge [sflag:s15], $0x280  }
0x88: {  	[sflag:s15] =	ssyncset.done $0x0  }
0x89: {  	[sflag:s15] =	ssyncadd.s32 $0xFFFFFD80  }
0x8a: {  	[tilespmem:s14], [sflag:$0x2] =	stream.linear.gather [spmem:s7], $0x280, $0x38;
	[tilespmem:$0x5800] =	vst v63  }
0x8b: {  	s23 =	sadd.s32 $0x1, s23;
	_ =	swait.ge [sflag:s15], $0x280  }
0x8c: {  	p0 =	sne.s32 s23, s13;
	[sflag:s15] =	ssyncset.done $0x0  }
.Ltmp1:
0x8d: {  	[sflag:s15] =	ssyncadd.s32 $0xFFFFFD80;
	(pc) =	sbr.rel @p0 .LBB2_1-.Ltmp1, $4  }
0x8e: {  	[hbm4b:s12+s19] =	stream.strided.scatter [tilespmem:s14], [sflag:$0x2], $0x280, s22, s19, $0x38;
	[tilespmem:$0x5800] =	vst v63  }
0x8f: {  	_ =	swait.ge [sflag:s15], $0x280  }
0x90: {  	[sflag:s15] =	ssyncset.done $0x0  }
0x91: {  	[sflag:s15] =	ssyncadd.s32 $0xFFFFFD80  }
0x92: {  	_ =	sfence.sel $0x180000  }
0x93: {  	[bflag:$0x0] =	sbarrier.arrive $0xFFFF  }
0x94: {  	p0 =	sne.s32 s1, $0x0;
	_ =	strace $0x90000047  }
0x95: {  	s0 =	sadd.s32 @!p0 $0x100000, s0;
	[bflag:$0x2] =	sbarrier.arrive $0xFFFF  }
0x96: {  	[sflag:s0] =	ssyncadd.tile.s32 @!p0 $0x1;
	_ =	shalt  }
.Lfunc_end2:
_tile_overlayer_lowered:
.L_overlay_start_2:
0x97: {  	(tag) =	ssettag $0x2  }
0x98: {  	s0 =	rddreg [dreg:$0x0];
	s2 =	stileid.u32  }
0x99: {  	s1 =	rddreg [dreg:$0x1];
	p0 =	sne.s32 s2, $0x0  }
0x9a: {  	s3 =	rddreg [dreg:$0x2];
	[bflag:$0x3] =	sbarrier.arrive $0xFFFF;
	s2 =	simm.s32 @!p0 $0x1C02  }
0x9b: {  	[timem:s3], [sflag:s2] =	dma.local @!p0 [hbm:s0], s1  }
0x9c: {  	s0 =	simm.s32 @!p0 $0x2  }
0x9d: {  	_ =	swait.ge @!p0 [sflag:s0], s1  }
0x9e: {  	s1 =	ssub.s32 @!p0 $0x0, s1;
	[sflag:s0] =	ssyncset.done @!p0 $0x0  }
0x9f: {  	[sflag:s0] =	ssyncadd.s32 @!p0 s1  }
0xa0: {  	[bflag:$0x3] =	sbarrier.arrive $0xFFFF  }
0xa1: {  	_ =	shalt  }

// kernel: kernel.9.cloned.1.call-start
scs
__scs_entry_jumppad:
0x0: {  	(pc) =	sbr.rel $0x88, $3  }
0x1: {  	(tag) =	ssettag $0x0;
	lr =	simm.s32 $0x1  }
0x2: {  	[smem:$0x3F9F] =	sst lr;
	_ =	strace $0xD0000000  }
0x3: {  	_ = 	snop  }
0x4: {  	_ = 	snop  }
0x5: {  	_ = 	snop  }
0x6: {  	_ = 	snop  }
0x7: {  	_ = 	snop  }
__scs_overlays_trampoline_lowered:
0x8: {  	[smem:$0x3FAE] =	sst s0  }
0x9: {  	[smem:$0x3FAF] =	sst s1  }
0xa: {  	[smem:$0x3FB0] =	sst s2  }
0xb: {  	[smem:$0x3FB1] =	sst s3  }
0xc: {  	[smem:$0x3FB2] =	sst s4  }
0xd: {  	[smem:$0x3FB3] =	sst s5  }
0xe: {  	[smem:$0x3FB4] =	sst s6  }
0xf: {  	[smem:$0x3FB5] =	sst s7  }
0x10: {  	[smem:$0x3FB6] =	sst s8  }
0x11: {  	[smem:$0x3FB7] =	sst s9;
	s0 =	simm.s32 @!p0 $0x0  }
0x12: {  	s1 =	sld [smem:$0x3F9D];
	s0 =	simm.s32 @p0 $0x1  }
0x13: {  	[smem:$0x3FB8] =	sst s0;
	s0 =	simm.s32 @!p1 $0x0  }
0x14: {  	s2 =	sld [smem:$0x3F9C];
	s0 =	simm.s32 @p1 $0x1  }
0x15: {  	[smem:$0x3FB9] =	sst s0;
	s0 =	simm.s32 @!p2 $0x0  }
0x16: {  	s3 =	sld [smem:$0x3FDB];
	s0 =	simm.s32 @p2 $0x1  }
0x17: {  	s4 =	simm.s32 $0x1BF5;
	[smem:$0x3FBB] =	sst s0  }
0x18: {  	s0 =	sld [smem:$0x3F9E];
	_ =	swait.ge [sflag:s4], $0x0  }
0x19: {  	s7 =	sld [smem:$0x3F9F]  }
0x1a: {  	s8 =	sadd.s32 $0xFFFFE003, lr  }
0x1b: {  	s9 =	sadd.s32 $0xFFFFFEF7, lr;
	s5 =	simm.s32 $0xFFFFFFFF;
	p2 =	slt.u32 s8, $0xFFFFF086  }
0x1c: {  	p1 =	slt.u32 s9, $0xF7A;
	s5 =	simm.s32 @!p2 $0x0  }
0x1d: {  	s5 =	simm.s32 @p1 $0x1;
	p0 =	seq.s32 s7, s2  }
0x1e: {  	s7 =	smul.u32 @!p0 $0xF7A, s2;
	p2 =	seq.s32 @!p0 s5, $0x0  }
0x1f: {  	s9 =	smul.u32 $0xF7A, s1;
	s8 =	simm.s32 @!p0 $0x1BF5;
	p2 =	por !p2, p0  }
0x20: {  	[sflag:s8] =	ssyncset.s32 @!p0 $0xFFFFF086;
	s6 =	sadd.s32 @!p0 s3, s7;
	s7 =	simm.s32 @!p0 $0x108  }
0x21: {  	s3 =	sadd.s32 s3, s9;
	s6 =	sadd.s32 @!p0 $0x88, s6;
	s7 =	simm.s32 @p2 $0x1082  }
0x22: {  	[simem:s7], [sflag:s8] =	dma.local @!p0 [hbm:s6], $0xF7A  }
0x23: {  	s9 =	sor.u32 $0xD0000000, s2;
	s6 =	simm.s32 $0x108;
	_ =	swait.ge @!p0 [sflag:s8], $0x0  }
0x24: {  	s3 =	sadd.s32 $0x88, s3;
	s6 =	simm.s32 @!p1 $0x1082;
	[sflag:s4] =	ssyncset.s32 $0xFFFFF086  }
0x25: {  	[simem:s6], [sflag:s4] =	dma.local [hbm:s3], $0xF7A  }
0x26: {  	[smem:$0x3F9F] =	sst s1;
	(tag) =	ssettag s2;
	_ =	strace s9  }
0x27: {  	s1 =	sld [smem:$0x3FAF]  }
0x28: {  	s2 =	sld [smem:$0x3FB0]  }
0x29: {  	s4 =	sld [smem:$0x3FB2]  }
0x2a: {  	p0 =	seq.s32 s5, $0x0;
	s5 =	sld [smem:$0x3FB3]  }
0x2b: {  	s6 =	sld [smem:$0x3FB4]  }
0x2c: {  	s7 =	sld [smem:$0x3FB5]  }
0x2d: {  	s3 =	simm.s32 $0x108;
	s8 =	sld [smem:$0x3FB6]  }
0x2e: {  	s3 =	simm.s32 @!p0 $0x1082;
	s9 =	sld [smem:$0x3FB7]  }
0x2f: {  	lr =	sadd.s32 s0, s3;
	s0 =	sld [smem:$0x3FAE]  }
0x30: {  	s3 =	sld [smem:$0x3FB1]  }
0x31: {  	[smem:$0x3FBA] =	sst s10  }
0x32: {  	s10 =	sld [smem:$0x3FB8];
	_ =	sdelay $0x3  }
0x33: {  	p0 =	seq.s32 s10, $0x1;
	s10 =	sld [smem:$0x3FBA];
	_ =	sdelay $0x3  }
0x34: {  	[smem:$0x3FBA] =	sst s10  }
0x35: {  	s10 =	sld [smem:$0x3FB9];
	_ =	sdelay $0x3  }
0x36: {  	p1 =	seq.s32 s10, $0x1;
	s10 =	sld [smem:$0x3FBA];
	_ =	sdelay $0x3  }
0x37: {  	[smem:$0x3FBA] =	sst s10  }
0x38: {  	s10 =	sld [smem:$0x3FBB]  }
0x39: {  	_ = 	snop;
	(pc) =	sbr.ind lr, $3  }
0x3a: {  	_ = 	snop  }
0x3b: {  	_ = 	snop  }
0x3c: {  	p2 =	seq.s32 s10, $0x1;
	s10 =	sld [smem:$0x3FBA]  }
0x3d: {  	_ =	shalt  }
0x3e: {  	_ =	shalt  }
0x3f: {  	_ =	shalt  }
0x40: {  	_ =	shalt  }
0x41: {  	_ =	shalt  }
0x42: {  	_ =	shalt  }
0x43: {  	_ =	shalt  }
0x44: {  	_ =	shalt  }
0x45: {  	_ =	shalt  }
0x46: {  	_ =	shalt  }
0x47: {  	_ =	shalt  }
0x48: {  	_ =	shalt  }
0x49: {  	_ =	shalt  }
0x4a: {  	_ =	shalt  }
0x4b: {  	_ =	shalt  }
0x4c: {  	_ =	shalt  }
0x4d: {  	_ =	shalt  }
0x4e: {  	_ =	shalt  }
0x4f: {  	_ =	shalt  }
0x50: {  	_ =	shalt  }
0x51: {  	_ =	shalt  }
0x52: {  	_ =	shalt  }
0x53: {  	_ =	shalt  }
0x54: {  	_ =	shalt  }
0x55: {  	_ =	shalt  }
0x56: {  	_ =	shalt  }
0x57: {  	_ =	shalt  }
0x58: {  	_ =	shalt  }
0x59: {  	_ =	shalt  }
0x5a: {  	_ =	shalt  }
0x5b: {  	_ =	shalt  }
0x5c: {  	_ =	shalt  }
0x5d: {  	_ =	shalt  }
0x5e: {  	_ =	shalt  }
0x5f: {  	_ =	shalt  }
0x60: {  	_ =	shalt  }
0x61: {  	_ =	shalt  }
0x62: {  	_ =	shalt  }
0x63: {  	_ =	shalt  }
0x64: {  	_ =	shalt  }
0x65: {  	_ =	shalt  }
0x66: {  	_ =	shalt  }
0x67: {  	_ =	shalt  }
0x68: {  	_ =	shalt  }
0x69: {  	_ =	shalt  }
0x6a: {  	_ =	shalt  }
0x6b: {  	_ =	shalt  }
0x6c: {  	_ =	shalt  }
0x6d: {  	_ =	shalt  }
0x6e: {  	_ =	shalt  }
0x6f: {  	_ =	shalt  }
0x70: {  	_ =	shalt  }
0x71: {  	_ =	shalt  }
0x72: {  	_ =	shalt  }
0x73: {  	_ =	shalt  }
0x74: {  	_ =	shalt  }
0x75: {  	_ =	shalt  }
0x76: {  	_ =	shalt  }
0x77: {  	_ =	shalt  }
0x78: {  	_ =	shalt  }
0x79: {  	_ =	shalt  }
0x7a: {  	_ =	shalt  }
0x7b: {  	_ =	shalt  }
0x7c: {  	_ =	shalt  }
0x7d: {  	_ =	shalt  }
0x7e: {  	_ =	shalt  }
0x7f: {  	_ =	shalt  }
0x80: {  	_ =	shalt  }
0x81: {  	_ =	shalt  }
0x82: {  	_ =	shalt  }
0x83: {  	_ =	shalt  }
0x84: {  	_ =	shalt  }
0x85: {  	_ =	shalt  }
0x86: {  	_ =	shalt  }
0x87: {  	_ =	shalt  }
.Lfunc_end0:
.L_simem_size_0:
called_computation.1_lowered:
.L_overlay_start_0:
0x88: {  	s2 =	sld [smem:$0x3FD9]  }
0x89: {  	s3 =	sld [smem:$0x3FFE];
	_ =	sdelay $0x1  }
0x8a: {  	s1 =	srdreg.scid  }
0x8b: {  	s0 =	sand.u32 $0x1, s1  }
0x8c: {  	s17 =	sshll.u32 s0, $0xA;
	s2 =	sadd.s32 s3, s2  }
0x8d: {  	s2 =	sadd.s32 s2, s17  }
0x8e: {  	[smem:$0x3FC6] =	sst s2  }
0x8f: {  	_ = 	snop  }
0x90: {  	s2 =	sld [smem:$0x3FD0];
	(tm) =	ssettm $0x1  }
0x91: {  	s18 =	sld [smem:$0x3FFB];
	_ =	sdelay $0x3  }
0x92: {  	_ =	strace s18  }
0x93: {  	s3 =	sld [smem:$0x3FFC];
	_ =	sdelay $0x3  }
0x94: {  	_ =	strace s3  }
0x95: {  	s3 =	sld [smem:$0x3FFD];
	_ =	sdelay $0x3  }
0x96: {  	_ =	strace s3  }
0x97: {  	_ =	strace $0x8FFFFFFF  }
0x98: {  	s19 =	sld [smem:$0x3FDB];
	_ =	sdelay $0x1  }
0x99: {  	s4 =	simm.s32 $_scs_section_size  }
0x9a: {  	s5 =	simm.s32 $_size__tile_overlayer_lowered;
	s6 =	simm.s32 $_tile_overlayer_lowered  }
0x9b: {  	s22 =	simm.s32 $0x1BFF;
	s21 =	sshll.u32 s6, $0x1;
	s3 =	sadd.s32 s4, s19  }
0x9c: {  	s7 =	simm.s32 $0x0;
	s20 =	sshll.u32 s5, $0x1;
	s5 =	sadd.s32 s21, s3  }
0x9d: {  	[timem:s7], [sflag:s22] =	dma.local [hbm:s5], s20  }
0x9e: {  	_ =	swait.ge [sflag:s22], s20  }
0x9f: {  	s4 =	ssub.s32 $0x0, s20;
	[sflag:s22] =	ssyncset.done $0x0  }
0xa0: {  	[sflag:s22] =	ssyncadd.s32 s4;
	_ =	sdelay $0x1  }
0xa1: {  	s23 =	simm.s32 $0x1B8B  }
0xa2: {  	_ =	swait.ge [sflag:s23], $0x1  }
0xa3: {  	[sflag:s23] =	ssyncset.done $0x0  }
0xa4: {  	s25 =	simm.s32 $0x1B8E;
	s24 =	sld [smem:$0x3FFE];
	[sflag:s23] =	ssyncadd.s32 $0xFFFFFFFF  }
0xa5: {  	s26 =	simm.s32 $execute0_lowered;
	[smem:$0x3FD2] =	sst s25  }
0xa6: {  	s5 =	sshll.u32 s26, $0x1;
	_ =	strace $0x80000049;
	[dreg:$0x1] =	wrdreg $0xFFFFFFFF  }
0xa7: {  	s28 =	simm.s32 $_size_execute0_lowered;
	s3 =	sadd.s32 s3, s5;
	[dreg:$0x0] =	wrdreg $0x0  }
0xa8: {  	s5 =	sshll.u32 s28, $0x1;
	[dreg:$0x2] =	wrdreg s3  }
0xa9: {  	[dreg:$0x3] =	wrdreg s5  }
0xaa: {  	[dreg:$0x4] =	wrdreg $0xC0  }
0xab: {  	_ =	task [dreg:s7], $0x5FFFF  }
0xac: {  	[dreg:$0x1] =	wrdreg $0xFFFFFFFF  }
0xad: {  	[dreg:$0x0] =	wrdreg $0x60  }
0xae: {  	[dreg:$0x2] =	wrdreg s24  }
0xaf: {  	[dreg:$0x3] =	wrdreg s2  }
0xb0: {  	[dreg:$0x4] =	wrdreg $0xA8000  }
0xb1: {  	[dreg:$0x5] =	wrdreg $0x9  }
0xb2: {  	_ =	task.clear_ibuf [dreg:s7], $0x6FFFF;
	_ =	strace $0x90000049  }
0xb3: {  	s29 =	simm.s32 $0x9;
	_ =	strace $0x8000004B  }
0xb4: {  	_ =	swait.ge [sflag:s29], $0x1  }
0xb5: {  	[sflag:s29] =	ssyncadd.s32 $0xFFFFFFFF  }
0xb6: {  	_ =	strace $0x9000004B  }
0xb7: {  	_ =	sfence  }
0xb8: {  	s30 =	sld [smem:$0x0];
	_ =	sdelay $0x2  }
0xb9: {  	s31 =	sshll.u32 s1, $0xD;
	s1 =	sshrl.u32 s1, $0x2  }
0xba: {  	s3 =	sand.u32 $0x4000, s31;
	s1 =	sadd.s32 s1, s30  }
0xbb: {  	s0 =	sor.u32 s3, s0;
	s1 =	sshll.u32 s1, $0x11  }
0xbc: {  	s0 =	sor.u32 s1, s0  }
0xbd: {  	s0 =	sadd.s32 $0x8F2B, s0  }
0xbe: {  	[sflag:s0] =	ssyncadd.remote.s32 $0x1  }
0xbf: {  	_ =	sfence.sel $0xFFFF  }
0xc0: {  	[dreg:$0x0] =	wrdreg $0xFFFFFFFF;
	(pc) =	sbr.abs _section_cstart, $3  }
0xc1: {  	[dreg:$0x1] =	wrdreg $0xFFFFFFFF  }
0xc2: {  	_ =	task.clear_ibuf [dreg:s7], $0x2FFFF;
	_ =	strace $0x9FFFFFFF  }
0xc3: {  	(tm) =	ssettm $0x7FFFFFFF  }
tec
execute0_lowered:
.L_overlay_start_1:
0x0: {  	(tag) =	ssettag $0x1  }
0x1: {  	s0 =	rddreg [dreg:$0x0]  }
0x2: {  	s3 =	rddreg [dreg:$0x1]  }
0x3: {  	s1 =	rddreg [dreg:$0x2];
	s2 =	simm.s32 $0x0  }
0x4: {  	s4 =	srdreg.scid;
	s10 =	stileid.u32;
	s20 =	simm.s32 $0x2800  }
0x5: {  	s21 =	simm.s32 $0x3;
	s28 =	simm.s32 $0x2;
	s29 =	simm.s32 $0x0  }
0x6: {  	[smem:$0x7FF] =	sst s2;
	s9 =	sand.u32 $0x1, s4;
	s7 =	smul.u32 $0x50000, s10  }
0x7: {  	s4 =	sadd.s32 $0x1C00, s0;
	s11 =	smul.u32 $0x14000, s10;
	s10 =	sshll.u32 s10, $0x1  }
0x8: {  	s0 =	sadd.s32 $0x29C00, s0;
	_ =	strace $0x8000004A;
	s5 =	ssub.s32 $0x2, s9  }
0x9: {  	s8 =	sshll.u32 s9, $0x5;
	s24 =	smul.u32 $0x140000, s9;
	s6 =	sshrl.u32 s5, $0x1  }
0xa: {  	s22 =	sor.u32 s10, s8;
	s23 =	sshrl.u32 s7, $0x2;
	s13 =	sadd.s32 $0x4000, s11  }
0xb: {  	s16 =	sadd.s32 $0x8000, s11;
	s17 =	sadd.s32 $0xC000, s11;
	s18 =	sadd.s32 $0x10000, s11  }
0xc: {  	s19 =	ssub.s32 s5, s6;
	s8 =	smul.u32 $0x1400, s22;
	s5 =	sadd.s32 s23, s1  }
0xd: {  	s6 =	sadd.s32 s13, s1;
	s7 =	sadd.s32 s16, s1;
	s9 =	sadd.s32 s17, s1  }
0xe: {  	s10 =	sadd.s32 s18, s1;
	s11 =	sadd.s32 s11, s24;
	s14 =	sadd.s32 s24, s13  }
0xf: {  	s30 =	sadd.s32 s24, s16;
	s17 =	sadd.s32 s24, s17;
	s22 =	simm.s32 $0x1400  }
0x10: {  	s23 =	simm.s32 $0x80;
	s11 =	sshrl.u32 s11, $0x3;
	s15 =	sshrl.u32 s14, $0x3  }
0x11: {  	s31 =	sshrl.u32 s17, $0x3;
	s19 =	smax.u32 s19, $0x1;
	s8 =	sshrl.u32 s8, $0x3  }
0x12: {  	s14 =	sadd.s32 s0, s11;
	s15 =	sadd.s32 s0, s15;
	s8 =	sadd.s32 s3, s8  }
0x13: {  	s11 =	sshrl.u32 s30, $0x3;
	s17 =	sadd.s32 s0, s31;
	s12 =	sadd.s32 $0xA000, s8  }
0x14: {  	s3 =	sadd.s32 s24, s18;
	s25 =	sadd.s32 $0x280, s8;
	[dreg:$0x4] =	wrdreg s12  }
0x15: {  	s16 =	sadd.s32 s0, s11;
	s26 =	sadd.s32 $0xA280, s8;
	[dreg:$0x5] =	wrdreg s25  }
0x16: {  	s24 =	simm.s32 $0x1;
	s3 =	sshrl.u32 s3, $0x3;
	[dreg:$0x6] =	wrdreg s26  }
0x17: {  	v0 =	vimm.f32 $0.0e+00;
	s18 =	sadd.s32 s0, s3;
	s25 =	simm.s32 $0x1380;
	s26 =	simm.s32 $0x6800  }
.LBB2_1:
0x18: {  	s0 =	simm.s32 $0x0;
	s3 =	simm.s32 $0x200  }
.LBB2_2:
0x19: {  	p0 =	sne.s32 s3, $0xFE00;
	[tilespmem:s0+$0x2870] =	vst v0  }
0x1a: {  	[tilespmem:s0+$0x2800] =	vst v0  }
0x1b: {  	[tilespmem:s0+$0x2810] =	vst v0  }
.Ltmp0:
0x1c: {  	[tilespmem:s0+$0x2820] =	vst v0;
	(pc) =	sbr.rel @p0 .LBB2_2-.Ltmp0, $4  }
0x1d: {  	[tilespmem:s0+$0x2830] =	vst v0  }
0x1e: {  	[tilespmem:s0+$0x2840] =	vst v0  }
0x1f: {  	[tilespmem:s0+$0x2850] =	vst v0  }
0x20: {  	[tilespmem:s0+$0x2860] =	vst v0;
	s0 =	sshra.s32 s3, $0x2;
	s3 =	sadd.s32 $0x200, s3  }
0x21: {  	[tilespmem:s0+$0x2870] =	vst v0  }
0x22: {  	[tilespmem:s0+$0x2800] =	vst v0  }
0x23: {  	[tilespmem:s0+$0x2810] =	vst v0  }
0x24: {  	[tilespmem:s0+$0x2820] =	vst v0  }
0x25: {  	[tilespmem:s0+$0x2830] =	vst v0  }
0x26: {  	[tilespmem:s0+$0x2840] =	vst v0  }
0x27: {  	[tilespmem:s0+$0x2850] =	vst v0  }
0x28: {  	[tilespmem:s0+$0x2860] =	vst v0  }
0x29: {  	[spmem:s5] =	stream.linear.scatter [tilespmem:s20], [sflag:$0x3], $0x4000, $0x38;
	[tilespmem:$0x1E800] =	vst v63  }
0x2a: {  	_ =	swait.ge [sflag:s21], $0x4000  }
0x2b: {  	[sflag:s21] =	ssyncset.done $0x0  }
0x2c: {  	[sflag:s21] =	ssyncadd.s32 $0xFFFFC000  }
0x2d: {  	[spmem:s6] =	stream.linear.scatter [tilespmem:s20], [sflag:$0x3], $0x4000, $0x38;
	[tilespmem:$0x1E800] =	vst v63  }
0x2e: {  	_ =	swait.ge [sflag:s21], $0x4000  }
0x2f: {  	[sflag:s21] =	ssyncset.done $0x0  }
0x30: {  	[sflag:s21] =	ssyncadd.s32 $0xFFFFC000  }
0x31: {  	[spmem:s7] =	stream.linear.scatter [tilespmem:s20], [sflag:$0x3], $0x4000, $0x38;
	[tilespmem:$0x1E800] =	vst v63  }
0x32: {  	_ =	swait.ge [sflag:s21], $0x4000  }
0x33: {  	[sflag:s21] =	ssyncset.done $0x0  }
0x34: {  	[sflag:s21] =	ssyncadd.s32 $0xFFFFC000  }
0x35: {  	[spmem:s9] =	stream.linear.scatter [tilespmem:s20], [sflag:$0x3], $0x4000, $0x38;
	[tilespmem:$0x1E800] =	vst v63  }
0x36: {  	_ =	swait.ge [sflag:s21], $0x4000  }
0x37: {  	[sflag:s21] =	ssyncset.done $0x0  }
0x38: {  	[sflag:s21] =	ssyncadd.s32 $0xFFFFC000  }
0x39: {  	[spmem:s10] =	stream.linear.scatter [tilespmem:s20], [sflag:$0x3], $0x4000, $0x38;
	[tilespmem:$0x1E800] =	vst v63  }
0x3a: {  	_ =	swait.ge [sflag:s21], $0x4000  }
0x3b: {  	[sflag:s21] =	ssyncset.done $0x0  }
0x3c: {  	[sflag:s21] =	ssyncadd.s32 $0xFFFFC000  }
0x3d: {  	s12 =	simm.s32 $0x0;
	[bflag:$0x0] =	sbarrier.arrive $0xFFFF  }
0x3e: {  	[tilespmem:s12], [sflag:$0x3] =	stream.linear.gather [hbm4b:s8+s12], $0x1400, $0x38;
	[tilespmem:$0x1E800] =	vst v63  }
0x3f: {  	_ =	swait.ge [sflag:s21], $0x1400  }
0x40: {  	[sflag:s21] =	ssyncset.done $0x0  }
0x41: {  	s3 =	rddreg [dreg:$0x4];
	[sflag:s21] =	ssyncadd.s32 $0xFFFFEC00  }
0x42: {  	[tilespmem:s22], [sflag:$0x3] =	stream.linear.gather [hbm4b:s3+s12], $0x1400, $0x38;
	[tilespmem:$0x1E800] =	vst v63  }
0x43: {  	s13 =	simm.s32 $0x0;
	_ =	swait.ge [sflag:s21], $0x1400  }
0x44: {  	s11 =	sand.u32 $0x4000, s13;
	[sflag:s21] =	ssyncset.done $0x0  }
0x45: {  	s3 =	sxor.u32 $0x4000, s11;
	[sflag:s21] =	ssyncadd.s32 $0xFFFFEC00  }
0x46: {  	[tilespmem:s20], [sflag:$0x1] =	stream.indirect.gather [hbm4b:s4+s23], $0x80, s22, s23, $0xb8;
	[tilespmem:$0x1E800] =	vst v63  }
0x47: {  	s30 =	simm.s32 $0x1480;
	s3 =	sor.u32 $0x2800, s3  }
0x48: {  	[tilespmem:s3], [sflag:$0x1] =	stream.indirect.gather [hbm4b:s4+s23], $0x80, s30, s23, $0xb8;
	[tilespmem:$0x1E800] =	vst v63  }
0x49: {  	_ =	swait.ge [sflag:s24], $0x4000  }
0x4a: {  	s31 =	simm.s32 $0x1500;
	[sflag:s24] =	ssyncset.done $0x0  }
0x4b: {  	s11 =	sor.u32 $0x2800, s11;
	s30 =	simm.s32 $0x4000;
	[sflag:s24] =	ssyncadd.s32 $0xFFFFC000  }
0x4c: {  	[spmem:s1] =	stream.indirect.scatter.add.f32 [tilespmem:s11], [sflag:$0x3], $0x80, s12, s23, $0xb8;
	[tilespmem:$0x1E800] =	vst v63  }
0x4d: {  	s3 =	simm.s32 $0x2;
	s0 =	sand.u32 $0x4000, s30;
	_ =	swait.ge [sflag:s21], $0x4000  }
0x4e: {  	s30 =	simm.s32 $0x80;
	s11 =	sxor.u32 $0x4000, s0;
	[sflag:s21] =	ssyncset.done $0x0  }
.LBB2_4:
0x4f: {  	s11 =	sor.u32 $0x2800, s11  }
0x50: {  	[sflag:s21] =	ssyncadd.s32 $0xFFFFC000;
	s12 =	smov.u32 s3;
	s13 =	sadd.s32 $0x1, s3  }
0x51: {  	[tilespmem:s11], [sflag:$0x1] =	stream.indirect.gather [hbm4b:s4+s23], $0x80, s31, s23, $0xb8;
	[tilespmem:$0x1E800] =	vst v63  }
0x52: {  	p0 =	sne.s32 s3, $0x26;
	_ =	swait.ge [sflag:s24], $0x4000  }
.Ltmp1:
0x53: {  	s0 =	sor.u32 $0x2800, s0;
	[sflag:s24] =	ssyncset.done $0x0;
	(pc) =	sbr.rel @p0 .LBB2_4-.Ltmp1, $4  }
0x54: {  	s3 =	sshll.u32 s12, $0xE;
	s31 =	sadd.s32 $0x80, s31;
	[sflag:s24] =	ssyncadd.s32 $0xFFFFC000  }
0x55: {  	[spmem:s1] =	stream.indirect.scatter.add.f32 [tilespmem:s0], [sflag:$0x3], $0x80, s30, s23, $0xb8;
	[tilespmem:$0x1E800] =	vst v63  }
0x56: {  	s0 =	sand.u32 $0x4000, s3;
	s30 =	sadd.s32 $0x80, s30;
	_ =	swait.ge [sflag:s21], $0x4000  }
0x57: {  	s3 =	smov.u32 s13;
	s11 =	sxor.u32 $0x4000, s0;
	[sflag:s21] =	ssyncset.done $0x0  }
0x58: {  	s3 =	sor.u32 $0x2800, s11;
	[sflag:s21] =	ssyncadd.s32 $0xFFFFC000  }
0x59: {  	[tilespmem:s3], [sflag:$0x1] =	stream.indirect.gather [hbm4b:s4+s23], $0x80, s31, s23, $0xb8;
	[tilespmem:$0x1E800] =	vst v63  }
0x5a: {  	_ =	swait.ge [sflag:s24], $0x4000  }
0x5b: {  	[sflag:s24] =	ssyncset.done $0x0  }
0x5c: {  	s0 =	sor.u32 $0x2800, s0;
	[sflag:s24] =	ssyncadd.s32 $0xFFFFC000  }
0x5d: {  	[spmem:s1] =	stream.indirect.scatter.add.f32 [tilespmem:s0], [sflag:$0x3], $0x80, s30, s23, $0xb8;
	[tilespmem:$0x1E800] =	vst v63  }
0x5e: {  	_ =	swait.ge [sflag:s21], $0x4000  }
0x5f: {  	[sflag:s21] =	ssyncset.done $0x0  }
0x60: {  	[sflag:s21] =	ssyncadd.s32 $0xFFFFC000  }
0x61: {  	_ =	swait.ge [sflag:s24], $0x4000  }
0x62: {  	[sflag:s24] =	ssyncset.done $0x0  }
0x63: {  	[sflag:s24] =	ssyncadd.s32 $0xFFFFC000  }
0x64: {  	[spmem:s1] =	stream.indirect.scatter.add.f32 [tilespmem:s26], [sflag:$0x3], $0x80, s25, s23, $0xb8;
	[tilespmem:$0x1E800] =	vst v63  }
0x65: {  	_ =	swait.ge [sflag:s21], $0x4000  }
0x66: {  	[sflag:s21] =	ssyncset.done $0x0  }
0x67: {  	s0 =	simm.s32 $0x0;
	s13 =	rddreg [dreg:$0x5];
	[sflag:s21] =	ssyncadd.s32 $0xFFFFC000  }
0x68: {  	[tilespmem:s0], [sflag:$0x3] =	stream.linear.gather [hbm4b:s13+s0], $0x1400, $0x38;
	[tilespmem:$0x1E800] =	vst v63  }
0x69: {  	_ =	swait.ge [sflag:s21], $0x1400  }
0x6a: {  	[sflag:s21] =	ssyncset.done $0x0  }
0x6b: {  	s11 =	rddreg [dreg:$0x6];
	[sflag:s21] =	ssyncadd.s32 $0xFFFFEC00  }
0x6c: {  	[tilespmem:s22], [sflag:$0x3] =	stream.linear.gather [hbm4b:s11+s0], $0x1400, $0x38;
	[tilespmem:$0x1E800] =	vst v63  }
0x6d: {  	s12 =	simm.s32 $0x0;
	_ =	swait.ge [sflag:s21], $0x1400  }
0x6e: {  	s11 =	sand.u32 $0x4000, s12;
	[sflag:s21] =	ssyncset.done $0x0  }
0x6f: {  	s3 =	sxor.u32 $0x4000, s11;
	[sflag:s21] =	ssyncadd.s32 $0xFFFFEC00  }
0x70: {  	[tilespmem:s20], [sflag:$0x1] =	stream.indirect.gather [hbm4b:s4+s23], $0x80, s22, s23, $0xb8;
	[tilespmem:$0x1E800] =	vst v63  }
0x71: {  	s12 =	simm.s32 $0x1480;
	s3 =	sor.u32 $0x2800, s3  }
0x72: {  	[tilespmem:s3], [sflag:$0x1] =	stream.indirect.gather [hbm4b:s4+s23], $0x80, s12, s23, $0xb8;
	[tilespmem:$0x1E800] =	vst v63  }
0x73: {  	_ =	swait.ge [sflag:s24], $0x4000  }
0x74: {  	s30 =	simm.s32 $0x80;
	[sflag:s24] =	ssyncset.done $0x0  }
0x75: {  	s13 =	simm.s32 $0x4000;
	s11 =	sor.u32 $0x2800, s11;
	[sflag:s24] =	ssyncadd.s32 $0xFFFFC000  }
0x76: {  	[spmem:s1] =	stream.indirect.scatter.add.f32 [tilespmem:s11], [sflag:$0x3], $0x80, s0, s23, $0xb8;
	[tilespmem:$0x1E800] =	vst v63  }
0x77: {  	s31 =	sand.u32 $0x4000, s13;
	s3 =	simm.s32 $0x2;
	_ =	swait.ge [sflag:s21], $0x4000  }
0x78: {  	s0 =	simm.s32 $0x1500;
	s11 =	sxor.u32 $0x4000, s31;
	[sflag:s21] =	ssyncset.done $0x0  }
.LBB2_6:
0x79: {  	s11 =	sor.u32 $0x2800, s11  }
0x7a: {  	[sflag:s21] =	ssyncadd.s32 $0xFFFFC000;
	s12 =	smov.u32 s3;
	s13 =	sadd.s32 $0x1, s3  }
0x7b: {  	[tilespmem:s11], [sflag:$0x1] =	stream.indirect.gather [hbm4b:s4+s23], $0x80, s0, s23, $0xb8;
	[tilespmem:$0x1E800] =	vst v63  }
0x7c: {  	p0 =	sne.s32 s3, $0x26;
	_ =	swait.ge [sflag:s24], $0x4000  }
.Ltmp2:
0x7d: {  	s3 =	sshll.u32 s12, $0xE;
	[sflag:s24] =	ssyncset.done $0x0;
	(pc) =	sbr.rel @p0 .LBB2_6-.Ltmp2, $4  }
0x7e: {  	s11 =	sor.u32 $0x2800, s31;
	s0 =	sadd.s32 $0x80, s0;
	[sflag:s24] =	ssyncadd.s32 $0xFFFFC000  }
0x7f: {  	[spmem:s1] =	stream.indirect.scatter.add.f32 [tilespmem:s11], [sflag:$0x3], $0x80, s30, s23, $0xb8;
	[tilespmem:$0x1E800] =	vst v63  }
0x80: {  	s31 =	sand.u32 $0x4000, s3;
	s3 =	smov.u32 s13;
	_ =	swait.ge [sflag:s21], $0x4000  }
0x81: {  	s11 =	sxor.u32 $0x4000, s31;
	s30 =	sadd.s32 $0x80, s30;
	[sflag:s21] =	ssyncset.done $0x0  }
0x82: {  	s3 =	sor.u32 $0x2800, s11;
	[sflag:s21] =	ssyncadd.s32 $0xFFFFC000  }
0x83: {  	[tilespmem:s3], [sflag:$0x1] =	stream.indirect.gather [hbm4b:s4+s23], $0x80, s0, s23, $0xb8;
	[tilespmem:$0x1E800] =	vst v63  }
0x84: {  	_ =	swait.ge [sflag:s24], $0x4000  }
0x85: {  	[sflag:s24] =	ssyncset.done $0x0  }
0x86: {  	s31 =	sor.u32 $0x2800, s31;
	[sflag:s24] =	ssyncadd.s32 $0xFFFFC000  }
0x87: {  	[spmem:s1] =	stream.indirect.scatter.add.f32 [tilespmem:s31], [sflag:$0x3], $0x80, s30, s23, $0xb8;
	[tilespmem:$0x1E800] =	vst v63  }
0x88: {  	_ =	swait.ge [sflag:s21], $0x4000  }
0x89: {  	[sflag:s21] =	ssyncset.done $0x0  }
0x8a: {  	[sflag:s21] =	ssyncadd.s32 $0xFFFFC000  }
0x8b: {  	_ =	swait.ge [sflag:s24], $0x4000  }
0x8c: {  	[sflag:s24] =	ssyncset.done $0x0  }
0x8d: {  	[sflag:s24] =	ssyncadd.s32 $0xFFFFC000  }
0x8e: {  	[spmem:s1] =	stream.indirect.scatter.add.f32 [tilespmem:s26], [sflag:$0x3], $0x80, s25, s23, $0xb8;
	[tilespmem:$0x1E800] =	vst v63  }
0x8f: {  	_ =	swait.ge [sflag:s21], $0x4000  }
0x90: {  	[sflag:s21] =	ssyncset.done $0x0  }
0x91: {  	[sflag:s21] =	ssyncadd.s32 $0xFFFFC000  }
0x92: {  	[bflag:$0x0] =	sbarrier.arrive $0xFFFF  }
0x93: {  	[tilespmem:s20], [sflag:$0x3] =	stream.linear.gather [spmem:s5], $0x4000, $0x38;
	[tilespmem:$0x1E800] =	vst v63  }
0x94: {  	_ =	swait.ge [sflag:s21], $0x4000  }
0x95: {  	[sflag:s21] =	ssyncset.done $0x0  }
0x96: {  	[sflag:s21] =	ssyncadd.s32 $0xFFFFC000  }
0x97: {  	[hbm4b:s14+s2] =	stream.linear.scatter [tilespmem:s20], [sflag:$0x2], $0x4000, $0x38;
	[tilespmem:$0x1E800] =	vst v63  }
0x98: {  	_ = 	snop  }
0x99: {  	[tilespmem:s26], [sflag:$0x3] =	stream.linear.gather [spmem:s6], $0x4000, $0x38;
	[tilespmem:$0x1E800] =	vst v63  }
0x9a: {  	_ =	swait.ge [sflag:s21], $0x4000  }
0x9b: {  	[sflag:s21] =	ssyncset.done $0x0  }
0x9c: {  	[sflag:s21] =	ssyncadd.s32 $0xFFFFC000  }
0x9d: {  	[hbm4b:s15+s2] =	stream.linear.scatter [tilespmem:s26], [sflag:$0x2], $0x4000, $0x38;
	[tilespmem:$0x1E800] =	vst v63  }
0x9e: {  	_ =	swait.ge [sflag:s28], $0x4000  }
0x9f: {  	[sflag:s28] =	ssyncset.done $0x0  }
0xa0: {  	[sflag:s28] =	ssyncadd.s32 $0xFFFFC000  }
0xa1: {  	[tilespmem:s20], [sflag:$0x3] =	stream.linear.gather [spmem:s7], $0x4000, $0x38;
	[tilespmem:$0x1E800] =	vst v63  }
0xa2: {  	_ =	swait.ge [sflag:s21], $0x4000  }
0xa3: {  	[sflag:s21] =	ssyncset.done $0x0  }
0xa4: {  	[sflag:s21] =	ssyncadd.s32 $0xFFFFC000  }
0xa5: {  	[hbm4b:s16+s2] =	stream.linear.scatter [tilespmem:s20], [sflag:$0x2], $0x4000, $0x38;
	[tilespmem:$0x1E800] =	vst v63  }
0xa6: {  	_ =	swait.ge [sflag:s28], $0x4000  }
0xa7: {  	[sflag:s28] =	ssyncset.done $0x0  }
0xa8: {  	[sflag:s28] =	ssyncadd.s32 $0xFFFFC000  }
0xa9: {  	[tilespmem:s26], [sflag:$0x3] =	stream.linear.gather [spmem:s9], $0x4000, $0x38;
	[tilespmem:$0x1E800] =	vst v63  }
0xaa: {  	_ =	swait.ge [sflag:s21], $0x4000  }
0xab: {  	[sflag:s21] =	ssyncset.done $0x0  }
0xac: {  	[sflag:s21] =	ssyncadd.s32 $0xFFFFC000  }
0xad: {  	[hbm4b:s17+s2] =	stream.linear.scatter [tilespmem:s26], [sflag:$0x2], $0x4000, $0x38;
	[tilespmem:$0x1E800] =	vst v63  }
0xae: {  	_ =	swait.ge [sflag:s28], $0x4000  }
0xaf: {  	[sflag:s28] =	ssyncset.done $0x0  }
0xb0: {  	[sflag:s28] =	ssyncadd.s32 $0xFFFFC000  }
0xb1: {  	[tilespmem:s20], [sflag:$0x3] =	stream.linear.gather [spmem:s10], $0x4000, $0x38;
	[tilespmem:$0x1E800] =	vst v63  }
0xb2: {  	_ =	swait.ge [sflag:s21], $0x4000  }
0xb3: {  	[sflag:s21] =	ssyncset.done $0x0  }
0xb4: {  	s29 =	sadd.s32 $0x1, s29;
	[sflag:s21] =	ssyncadd.s32 $0xFFFFC000  }
0xb5: {  	[hbm4b:s18+s2] =	stream.linear.scatter [tilespmem:s20], [sflag:$0x2], $0x4000, $0x38;
	[tilespmem:$0x1E800] =	vst v63  }
0xb6: {  	p0 =	sne.s32 s29, s19;
	_ =	swait.ge [sflag:s28], $0x4000  }
.Ltmp3:
0xb7: {  	[sflag:s28] =	ssyncset.done $0x0;
	(pc) =	sbr.rel @p0 .LBB2_1-.Ltmp3, $4  }
0xb8: {  	[sflag:s28] =	ssyncadd.s32 $0xFFFFC000  }
0xb9: {  	_ =	swait.ge [sflag:s28], $0x4000  }
0xba: {  	[sflag:s28] =	ssyncset.done $0x0  }
0xbb: {  	[sflag:s28] =	ssyncadd.s32 $0xFFFFC000  }
0xbc: {  	_ =	sfence.sel $0x180000  }
0xbd: {  	[bflag:$0x0] =	sbarrier.arrive $0xFFFF  }
0xbe: {  	_ =	strace $0x9000004A  }
0xbf: {  	s0 =	stileid.u32;
	[bflag:$0x2] =	sbarrier.arrive $0xFFFF  }
0xc0: {  	p0 =	sne.s32 s0, $0x0;
	s0 =	rddreg [dreg:$0x3]  }
0xc1: {  	s0 =	sadd.s32 @!p0 $0x100000, s0  }
0xc2: {  	[sflag:s0] =	ssyncadd.tile.s32 @!p0 $0x1;
	_ =	shalt  }
.Lfunc_end2:
_tile_overlayer_lowered:
.L_overlay_start_2:
0xc3: {  	(tag) =	ssettag $0x2  }
0xc4: {  	s0 =	rddreg [dreg:$0x0];
	s2 =	stileid.u32  }
0xc5: {  	s1 =	rddreg [dreg:$0x1];
	p0 =	sne.s32 s2, $0x0  }
0xc6: {  	s3 =	rddreg [dreg:$0x2];
	[bflag:$0x3] =	sbarrier.arrive $0xFFFF;
	s2 =	simm.s32 @!p0 $0x1C03  }
0xc7: {  	[timem:s3], [sflag:s2] =	dma.local @!p0 [hbm:s0], s1  }
0xc8: {  	s0 =	simm.s32 @!p0 $0x3  }
0xc9: {  	_ =	swait.ge @!p0 [sflag:s0], s1  }
0xca: {  	s1 =	ssub.s32 @!p0 $0x0, s1;
	[sflag:s0] =	ssyncset.done @!p0 $0x0  }
0xcb: {  	[sflag:s0] =	ssyncadd.s32 @!p0 s1  }
0xcc: {  	[bflag:$0x3] =	sbarrier.arrive $0xFFFF  }
0xcd: {  	_ =	shalt  }

</sc_bundles>
